<compile_context>
chip_gen: v7x
topology: tpu7x:2x2x1
jax: 0.10.2.dev20260603
libtpu: 0.0.44.dev20260713+nightly
codegen_flags: <defaults>
</compile_context>

<pallas_src>
import functools

import jax
import jax.numpy as jnp
from jax import lax
from jax.experimental import pallas as pl
from jax.experimental.pallas import tpu as pltpu
from jax.experimental.pallas import tpu_sc as plsc

B = 16384
F_DENSE = 13
F_SPARSE = 26
VOCAB = 100000
EMB = 16
ONEHOT = 2600
TOTAL = B * F_SPARSE
NW = 32
PER_W = TOTAL // NW
IDXROW = 128
CHUNK_ROWS = 8
CHUNK = CHUNK_ROWS * IDXROW
NCHUNK = PER_W // CHUNK


def _gather_body(idx_hbm, table_hbm, out_hbm, idx_v, rows_v, out_v, sem):
    wid = lax.axis_index("s") * 2 + lax.axis_index("c")
    row0 = wid * (PER_W // IDXROW)

    def chunk_body(c, carry):
        rb = row0 + c * CHUNK_ROWS
        pltpu.sync_copy(idx_hbm.at[pl.ds(rb, CHUNK_ROWS)], idx_v)

        base = rb * IDXROW

        def fix(i, _):
            j = i // (IDXROW // 16)
            k = (i % (IDXROW // 16)) * 16
            pos = base + i * 16 + lax.iota(jnp.int32, 16)
            off = (pos % F_SPARSE) * VOCAB
            idx_v[j, pl.ds(k, 16)] = idx_v[j, pl.ds(k, 16)] + off
            return 0

        lax.fori_loop(0, CHUNK_ROWS * (IDXROW // 16), fix, 0)

        descs = [
            pltpu.async_copy(table_hbm.at[idx_v.at[j]],
                             rows_v.at[pl.ds(j * IDXROW, IDXROW)], sem)
            for j in range(CHUNK_ROWS)
        ]
        for d in descs:
            d.wait()

        def repack(i, _):
            p = i * EMB
            out_v[p // 128, pl.ds(p % 128, EMB)] = rows_v[i, :]
            return 0

        lax.fori_loop(0, CHUNK, repack, 0)
        pltpu.sync_copy(
            out_v, out_hbm.at[pl.ds(rb * (IDXROW * EMB // 128),
                                    CHUNK * EMB // 128)])
        return carry

    lax.fori_loop(0, NCHUNK, chunk_body, 0)


@functools.lru_cache(maxsize=None)
def _make_gather():
    return pl.kernel(
        _gather_body,
        mesh=plsc.VectorSubcoreMesh(core_axis_name="c", subcore_axis_name="s"),
        out_type=jax.ShapeDtypeStruct((TOTAL * EMB // 128, 128), jnp.float32),
        scratch_types=[
            pltpu.VMEM((CHUNK_ROWS, IDXROW), jnp.int32),
            pltpu.VMEM((CHUNK, EMB), jnp.float32),
            pltpu.VMEM((CHUNK * EMB // 128, 128), jnp.float32),
            pltpu.SemaphoreType.DMA,
        ],
        compiler_params=pltpu.CompilerParams(use_tc_tiling_on_sc=False),
    )


TILE_B = 1024


def _wide_deep_body(dense, onehot, embed, wwd, wwo, bw,
                    W1d, W1e, b1, W2, b2, W3, b3, w4t, b4, out):
    f32 = jnp.float32
    d = dense[...]
    wide = (jnp.sum(d * wwd[...], axis=1, keepdims=True)
            + jnp.sum(onehot[...] * wwo[...], axis=1, keepdims=True)
            + bw[...])
    h = jnp.maximum(jnp.dot(d, W1d[...], preferred_element_type=f32)
                    + jnp.dot(embed[...], W1e[...], preferred_element_type=f32)
                    + b1[...], 0.0)
    h = jnp.maximum(jnp.dot(h, W2[...], preferred_element_type=f32) + b2[...], 0.0)
    h = jnp.maximum(jnp.dot(h, W3[...], preferred_element_type=f32) + b3[...], 0.0)
    deep = jnp.sum(h * w4t[...], axis=1, keepdims=True) + b4[...]
    out[...] = jax.nn.sigmoid(0.5 * (wide + deep))


def _full(shape):
    return pl.BlockSpec(shape, lambda i: (0, 0))


_wide_deep = pl.pallas_call(
    _wide_deep_body,
    grid=(B // TILE_B,),
    in_specs=[
        pl.BlockSpec((TILE_B, F_DENSE), lambda i: (i, 0)),
        pl.BlockSpec((TILE_B, ONEHOT), lambda i: (i, 0)),
        pl.BlockSpec((TILE_B, F_SPARSE * EMB), lambda i: (i, 0)),
        _full((1, F_DENSE)),
        _full((1, ONEHOT)),
        _full((1, 1)),
        _full((F_DENSE, 1024)),
        _full((F_SPARSE * EMB, 1024)),
        _full((1, 1024)),
        _full((1024, 512)),
        _full((1, 512)),
        _full((512, 256)),
        _full((1, 256)),
        _full((1, 256)),
        _full((1, 1)),
    ],
    out_specs=pl.BlockSpec((TILE_B, 1), lambda i: (i, 0)),
    out_shape=jax.ShapeDtypeStruct((B, 1), jnp.float32),
)


def kernel(dense_inputs, sparse_inputs, onehot_inputs, embed_tables,
           w_wide, b_wide, W1, b1, W2, b2, W3, b3, W4, b4):
    idx = sparse_inputs.astype(jnp.int32).reshape(TOTAL // IDXROW, IDXROW)
    table = embed_tables.reshape(F_SPARSE * VOCAB, EMB)
    rows = _make_gather()(idx, table)
    embed = rows.reshape(B, F_SPARSE * EMB)
    out = _wide_deep(
        dense_inputs, onehot_inputs, embed,
        w_wide[:F_DENSE].reshape(1, -1), w_wide[F_DENSE:].reshape(1, -1),
        b_wide.reshape(1, 1),
        W1[:F_DENSE], W1[F_DENSE:], b1.reshape(1, -1),
        W2, b2.reshape(1, -1), W3, b3.reshape(1, -1),
        W4.reshape(1, -1), b4.reshape(1, 1),
    )
    return out

# --- scband reference (transcript-rebuilt; emitter-appended) ---
"""Pipeline reference for scband-wide-deep-51436528337377 (READ-ONLY COPY).

The authoritative reference and input builder live on the scoring server;
editing this copy changes nothing except your own understanding.
"""

import jax, jax.numpy as jnp
import numpy as np

B = 16384
F_DENSE = 13
F_SPARSE = 26
VOCAB = 100000
EMB = 16
ONEHOT = 2600
HIDDEN = [1024, 512, 256]
OUT = 1


def setup_inputs(seed: int = 0) -> dict:
    key = jax.random.key(seed)
    ks = jax.random.split(key, 16)
    dense_inputs = jax.random.normal(ks[0], (B, F_DENSE), dtype=jnp.float32)
    sparse_inputs = jax.random.randint(ks[1], (B, F_SPARSE), 0, VOCAB, dtype=jnp.int64)
    onehot_inputs = jax.random.uniform(ks[2], (B, ONEHOT), dtype=jnp.float32)
    # learned params
    embed_tables = jax.random.normal(ks[3], (F_SPARSE, VOCAB, EMB), dtype=jnp.float32) * 0.02
    wide_in = F_DENSE + ONEHOT
    w_wide = jax.random.normal(ks[4], (wide_in, 1), dtype=jnp.float32) * 0.02
    b_wide = jnp.zeros((1,), dtype=jnp.float32)
    deep_in = F_DENSE + F_SPARSE * EMB
    dims = [deep_in] + HIDDEN + [OUT]
    W1 = jax.random.normal(ks[5], (dims[0], dims[1]), dtype=jnp.float32) * 0.02
    b1 = jnp.zeros((dims[1],), dtype=jnp.float32)
    W2 = jax.random.normal(ks[6], (dims[1], dims[2]), dtype=jnp.float32) * 0.02
    b2 = jnp.zeros((dims[2],), dtype=jnp.float32)
    W3 = jax.random.normal(ks[7], (dims[2], dims[3]), dtype=jnp.float32) * 0.02
    b3 = jnp.zeros((dims[3],), dtype=jnp.float32)
    W4 = jax.random.normal(ks[8], (dims[3], dims[4]), dtype=jnp.float32) * 0.02
    b4 = jnp.zeros((dims[4],), dtype=jnp.float32)
    return {
        'dense_inputs': dense_inputs,
        'sparse_inputs': sparse_inputs,
        'onehot_inputs': onehot_inputs,
        'embed_tables': embed_tables,
        'w_wide': w_wide, 'b_wide': b_wide,
        'W1': W1, 'b1': b1, 'W2': W2, 'b2': b2,
        'W3': W3, 'b3': b3, 'W4': W4, 'b4': b4,
    }


def reference(dense_inputs, sparse_inputs, onehot_inputs, embed_tables,
              w_wide, b_wide, W1, b1, W2, b2, W3, b3, W4, b4):
    # wide path: linear over [dense, onehot]
    wide_input = jnp.concatenate([dense_inputs, onehot_inputs], axis=-1)
    wide_output = wide_input @ w_wide + b_wide  # [B, 1]
    # embedding lookups per sparse field, concat along feature dim
    embeds = [jnp.take(embed_tables[i], sparse_inputs[:, i], axis=0)
              for i in range(F_SPARSE)]
    sparse_embed = jnp.concatenate(embeds, axis=-1)  # [B, F_SPARSE*EMB]
    # deep path: MLP with relu hidden layers
    deep_input = jnp.concatenate([dense_inputs, sparse_embed], axis=-1)
    h = jax.nn.relu(deep_input @ W1 + b1)
    h = jax.nn.relu(h @ W2 + b2)
    h = jax.nn.relu(h @ W3 + b3)
    deep_output = h @ W4 + b4  # [B, 1]
    output = jax.nn.sigmoid(0.5 * (wide_output + deep_output))
    return output

if __name__ == "__main__":
    import jax
    _d = setup_inputs()
    print(jax.jit(kernel)(*tuple(_d.values())))

</pallas_src>

<mosaic_0001>
#map = affine_map<(d0, d1) -> (0, 0)>
module attributes {stable_mosaic.version = 14 : i64} {
  func.func @_gather_body(%arg0: i32, %arg1: i32, %arg2: memref<3328x128xi32, #tpu.memory_space<hbm>>, %arg3: memref<2600000x16xf32, #tpu.memory_space<hbm>>, %arg4: memref<53248x128xf32, #tpu.memory_space<hbm>>, %arg5: memref<8x128xi32, #tpu.memory_space<vmem>>, %arg6: memref<1024x16xf32, #tpu.memory_space<vmem>>, %arg7: memref<128x128xf32, #tpu.memory_space<vmem>>, %arg8: memref<!tpu.dma_semaphore, #tpu.memory_space<semaphore_mem>>) attributes {dimension_semantics = [#tpu.dimension_semantics<core_parallel>, #tpu.dimension_semantics<subcore_parallel>], iteration_bounds = array<i64: 2, 16>, scalar_prefetch = 0 : i64, scratch_operands = 4 : i64, tpu.core_type = #tpu.core_type<sc_vector_subcore>, window_params = [{transform_indices = #map}, {transform_indices = #map}, {transform_indices = #map}]} {
    %mul3A = arith.constant 2 : i32
    %mul3A_0 = arith.muli %arg1, %mul3A : i32
    %add3A = arith.addi %mul3A_0, %arg0 : i32
    %mul3A_1 = arith.constant 104 : i32
    %mul3A_2 = arith.muli %add3A, %mul3A_1 : i32
    %scan3A = arith.constant 0 : i32
    %scan3A_3 = arith.constant 0 : i32
    %scan3A_4 = arith.constant 13 : i32
    %scan3A_5 = arith.addi %scan3A_3, %scan3A_4 : i32
    %scan3A_6 = arith.constant 1 : i32
    scf.for %scan3A_8 = %scan3A_3 to %scan3A_5 step %scan3A_6  : i32 {
      %mul3A_9 = arith.constant 8 : i32
      %mul3A_10 = arith.muli %scan3A_8, %mul3A_9 : i32
      %add3A_11 = arith.addi %mul3A_2, %mul3A_10 : i32
      "tpu.region"() ({
        %run_scoped3A = tpu.sem_alloc : memref<!tpu.dma_semaphore, #tpu.memory_space<semaphore_mem>>
        %dma_start3A_188 = arith.constant 0 : i32
        %dma_start3A_189 = tpu.memref_slice %arg2[%add3A_11, %dma_start3A_188] : memref<3328x128xi32, #tpu.memory_space<hbm>> -> memref<8x128xi32, #tpu.memory_space<hbm>>
        %dma_start3A_190 = arith.constant 0 : i32
        %dma_start3A_191 = tpu.memref_slice %arg2[%add3A_11, %dma_start3A_190] : memref<3328x128xi32, #tpu.memory_space<hbm>> -> memref<8x128xi32, #tpu.memory_space<hbm>>
        tpu.enqueue_dma source(%dma_start3A_191 : memref<8x128xi32, #tpu.memory_space<hbm>>) target(%arg5 : memref<8x128xi32, #tpu.memory_space<vmem>>) target_semaphore(%run_scoped3A : memref<!tpu.dma_semaphore, #tpu.memory_space<semaphore_mem>>)
        %dma_wait3A_192 = arith.constant 0 : i32
        %dma_wait3A_193 = tpu.memref_slice %arg2[%add3A_11, %dma_wait3A_192] : memref<3328x128xi32, #tpu.memory_space<hbm>> -> memref<8x128xi32, #tpu.memory_space<hbm>>
        %dma_wait3A_194 = arith.constant 0 : i32
        %dma_wait3A_195 = tpu.memref_slice %arg2[%add3A_11, %dma_wait3A_194] : memref<3328x128xi32, #tpu.memory_space<hbm>> -> memref<8x128xi32, #tpu.memory_space<hbm>>
        tpu.wait_dma2 semaphore(%run_scoped3A : memref<!tpu.dma_semaphore, #tpu.memory_space<semaphore_mem>>) src(%dma_wait3A_195 : memref<8x128xi32, #tpu.memory_space<hbm>>) dst(%arg5 : memref<8x128xi32, #tpu.memory_space<vmem>>)
        tpu.yield
      }) : () -> ()
      %mul3A_12 = arith.constant 128 : i32
      %mul3A_13 = arith.muli %add3A_11, %mul3A_12 : i32
      %scan3A_14 = arith.constant 0 : i32
      %scan3A_15 = arith.constant 0 : i32
      %scan3A_16 = arith.constant 64 : i32
      %scan3A_17 = arith.addi %scan3A_15, %scan3A_16 : i32
      %scan3A_18 = arith.constant 1 : i32
      %scan3A_19 = scf.for %scan3A_188 = %scan3A_15 to %scan3A_17 step %scan3A_18 iter_args(%scan3A_189 = %scan3A_14) -> (i32)  : i32 {
        %jit3A = arith.constant 8 : i32
        %div3A = arith.divsi %scan3A_188, %jit3A : i32
        %sign3A = arith.constant 0 : i32
        %sign3A_190 = arith.cmpi sgt, %scan3A_188, %sign3A : i32
        %sign3A_191 = arith.extui %sign3A_190 : i1 to i32
        %sign3A_192 = arith.constant 0 : i32
        %sign3A_193 = arith.cmpi slt, %scan3A_188, %sign3A_192 : i32
        %sign3A_194 = arith.extui %sign3A_193 : i1 to i32
        %sign3A_195 = arith.subi %sign3A_191, %sign3A_194 : i32
        %sign3A_196 = arith.constant 0 : i32
        %sign3A_197 = arith.cmpi sgt, %jit3A, %sign3A_196 : i32
        %sign3A_198 = arith.extui %sign3A_197 : i1 to i32
        %sign3A_199 = arith.constant 0 : i32
        %sign3A_200 = arith.cmpi slt, %jit3A, %sign3A_199 : i32
        %sign3A_201 = arith.extui %sign3A_200 : i1 to i32
        %sign3A_202 = arith.subi %sign3A_198, %sign3A_201 : i32
        %ne3A = arith.cmpi ne, %sign3A_195, %sign3A_202 : i32
        %rem3A = arith.remsi %scan3A_188, %jit3A : i32
        %ne3A_203 = arith.constant 0 : i32
        %ne3A_204 = arith.cmpi ne, %rem3A, %ne3A_203 : i32
        %and3A = arith.andi %ne3A, %ne3A_204 : i1
        %sub3A = arith.constant 1 : i32
        %sub3A_205 = arith.subi %div3A, %sub3A : i32
        %select_n3A = arith.select %and3A, %sub3A_205, %div3A : i32
        %jit3A_206 = arith.constant 8 : i32
        %eq3A = arith.constant 0 : i32
        %eq3A_207 = arith.cmpi eq, %jit3A_206, %eq3A : i32
        %jit3A_208 = arith.constant 1 : i32
        %select_n3A_209 = arith.select %eq3A_207, %jit3A_208, %jit3A_206 : i32
        %rem3A_210 = arith.remsi %scan3A_188, %select_n3A_209 : i32
        %ne3A_211 = arith.constant 0 : i32
        %ne3A_212 = arith.cmpi ne, %rem3A_210, %ne3A_211 : i32
        %lt3A = arith.constant 0 : i32
        %lt3A_213 = arith.cmpi slt, %rem3A_210, %lt3A : i32
        %lt3A_214 = arith.constant 0 : i32
        %lt3A_215 = arith.cmpi slt, %select_n3A_209, %lt3A_214 : i32
        %ne3A_216 = arith.xori %lt3A_213, %lt3A_215 : i1
        %and3A_217 = arith.andi %ne3A_216, %ne3A_212 : i1
        %add3A_218 = arith.addi %rem3A_210, %select_n3A_209 : i32
        %select_n3A_219 = arith.select %and3A_217, %add3A_218, %rem3A_210 : i32
        %mul3A_220 = arith.constant 16 : i32
        %mul3A_221 = arith.muli %select_n3A_219, %mul3A_220 : i32
        %mul3A_222 = arith.constant 16 : i32
        %mul3A_223 = arith.muli %scan3A_188, %mul3A_222 : i32
        %add3A_224 = arith.addi %mul3A_13, %mul3A_223 : i32
        %iota3A = tpu.iota {dimensions = array<i32: 0>} : vector<16xi32>
        %add3A_225 = vector.broadcast %add3A_224 : i32 to vector<16xi32>
        %add3A_226 = arith.addi %add3A_225, %iota3A : vector<16xi32>
        %jit3A_227 = arith.constant 26 : i32
        %eq3A_228 = arith.constant 0 : i32
        %eq3A_229 = arith.cmpi eq, %jit3A_227, %eq3A_228 : i32
        %jit3A_230 = arith.constant 1 : i32
        %select_n3A_231 = arith.select %eq3A_229, %jit3A_230, %jit3A_227 : i32
        %rem3A_232 = vector.broadcast %select_n3A_231 : i32 to vector<16xi32>
        %rem3A_233 = arith.remsi %add3A_226, %rem3A_232 : vector<16xi32>
        %ne3A_234 = arith.constant 0 : i32
        %ne3A_235 = vector.broadcast %ne3A_234 : i32 to vector<16xi32>
        %ne3A_236 = arith.cmpi ne, %rem3A_233, %ne3A_235 : vector<16xi32>
        %lt3A_237 = arith.constant 0 : i32
        %lt3A_238 = vector.broadcast %lt3A_237 : i32 to vector<16xi32>
        %lt3A_239 = arith.cmpi slt, %rem3A_233, %lt3A_238 : vector<16xi32>
        %lt3A_240 = arith.constant 0 : i32
        %lt3A_241 = arith.cmpi slt, %select_n3A_231, %lt3A_240 : i32
        %ne3A_242 = vector.broadcast %lt3A_241 : i1 to vector<16xi1>
        %ne3A_243 = vector.broadcast %ne3A_242 : vector<16xi1> to vector<16xi1>
        %ne3A_244 = arith.xori %lt3A_239, %ne3A_243 : vector<16xi1>
        %and3A_245 = arith.andi %ne3A_244, %ne3A_236 : vector<16xi1>
        %add3A_246 = vector.broadcast %select_n3A_231 : i32 to vector<16xi32>
        %add3A_247 = arith.addi %rem3A_233, %add3A_246 : vector<16xi32>
        %select_n3A_248 = arith.select %and3A_245, %add3A_247, %rem3A_233 : vector<16xi1>, vector<16xi32>
        %mul3A_249 = arith.constant 100000 : i32
        %mul3A_250 = vector.broadcast %mul3A_249 : i32 to vector<16xi32>
        %mul3A_251 = arith.muli %select_n3A_248, %mul3A_250 : vector<16xi32>
        %get3A = arith.index_cast %select_n3A : i32 to index
        %get3A_252 = arith.index_cast %mul3A_221 : i32 to index
        %get3A_253 = tpu.vector_load %arg5[%get3A, %get3A_252] {strides = array<i32>} : memref<8x128xi32, #tpu.memory_space<vmem>>, vector<1x16xi32>,
        %get3A_254 = vector.shape_cast %get3A_253 : vector<1x16xi32> to vector<16xi32>
        %add3A_255 = arith.addi %get3A_254, %mul3A_251 : vector<16xi32>
        %swap3A = arith.index_cast %select_n3A : i32 to index
        %swap3A_256 = arith.index_cast %mul3A_221 : i32 to index
        %swap3A_257 = tpu.vector_load %arg5[%swap3A, %swap3A_256] {strides = array<i32>} : memref<8x128xi32, #tpu.memory_space<vmem>>, vector<1x16xi32>,
        %swap3A_258 = vector.shape_cast %swap3A_257 : vector<1x16xi32> to vector<16xi32>
        %swap3A_259 = vector.shape_cast %add3A_255 : vector<16xi32> to vector<1x16xi32>
        tpu.vector_store %arg5[%swap3A, %swap3A_256], %swap3A_259 {strides = array<i32>} : memref<8x128xi32, #tpu.memory_space<vmem>>, vector<1x16xi32>,
        %scan3A_260 = arith.constant 0 : i32
        scf.yield %scan3A_260 : i32
      }
      %scan3A_20 = arith.constant 64 : i32
      %dma_start3A = arith.constant 0 : i32
      %dma_start3A_21 = arith.constant 0 : i32
      %dma_start3A_22 = arith.constant 0 : i32
      %dma_start3A_23 = tpu.memref_slice %arg6[%dma_start3A_21, %dma_start3A_22] : memref<1024x16xf32, #tpu.memory_space<vmem>> -> memref<128x16xf32, #tpu.memory_space<vmem>>
      %dma_start3A_24 = arith.constant 0 : i32
      %dma_start3A_25 = tpu.memref_slice %arg5[%dma_start3A, %dma_start3A_24] : memref<8x128xi32, #tpu.memory_space<vmem>> -> memref<1x128xi32, #tpu.memory_space<vmem>>
      %dma_start3A_26 = tpu.memref_squeeze %dma_start3A_25 : memref<1x128xi32, #tpu.memory_space<vmem>> -> memref<128xi32, #tpu.memory_space<vmem>>
      %dma_start3A_27 = arith.constant 0 : i32
      %dma_start3A_28 = arith.constant 0 : i32
      %dma_start3A_29 = tpu.memref_slice %arg3[%dma_start3A_27, %dma_start3A_28] : memref<2600000x16xf32, #tpu.memory_space<hbm>> -> memref<2600000x16xf32, #tpu.memory_space<hbm>>
      tpu.enqueue_indirect_dma source(%dma_start3A_29 : memref<2600000x16xf32, #tpu.memory_space<hbm>>) target(%dma_start3A_23 : memref<128x16xf32, #tpu.memory_space<vmem>>) offsets(%dma_start3A_26 : memref<128xi32, #tpu.memory_space<vmem>>) semaphore(%arg8 : memref<!tpu.dma_semaphore, #tpu.memory_space<semaphore_mem>>)
      %dma_start3A_30 = arith.constant 1 : i32
      %dma_start3A_31 = arith.constant 128 : i32
      %dma_start3A_32 = arith.constant 0 : i32
      %dma_start3A_33 = tpu.memref_slice %arg6[%dma_start3A_31, %dma_start3A_32] : memref<1024x16xf32, #tpu.memory_space<vmem>> -> memref<128x16xf32, #tpu.memory_space<vmem>>
      %dma_start3A_34 = arith.constant 0 : i32
      %dma_start3A_35 = tpu.memref_slice %arg5[%dma_start3A_30, %dma_start3A_34] : memref<8x128xi32, #tpu.memory_space<vmem>> -> memref<1x128xi32, #tpu.memory_space<vmem>>
      %dma_start3A_36 = tpu.memref_squeeze %dma_start3A_35 : memref<1x128xi32, #tpu.memory_space<vmem>> -> memref<128xi32, #tpu.memory_space<vmem>>
      %dma_start3A_37 = arith.constant 0 : i32
      %dma_start3A_38 = arith.constant 0 : i32
      %dma_start3A_39 = tpu.memref_slice %arg3[%dma_start3A_37, %dma_start3A_38] : memref<2600000x16xf32, #tpu.memory_space<hbm>> -> memref<2600000x16xf32, #tpu.memory_space<hbm>>
      tpu.enqueue_indirect_dma source(%dma_start3A_39 : memref<2600000x16xf32, #tpu.memory_space<hbm>>) target(%dma_start3A_33 : memref<128x16xf32, #tpu.memory_space<vmem>>) offsets(%dma_start3A_36 : memref<128xi32, #tpu.memory_space<vmem>>) semaphore(%arg8 : memref<!tpu.dma_semaphore, #tpu.memory_space<semaphore_mem>>)
      %dma_start3A_40 = arith.constant 2 : i32
      %dma_start3A_41 = arith.constant 256 : i32
      %dma_start3A_42 = arith.constant 0 : i32
      %dma_start3A_43 = tpu.memref_slice %arg6[%dma_start3A_41, %dma_start3A_42] : memref<1024x16xf32, #tpu.memory_space<vmem>> -> memref<128x16xf32, #tpu.memory_space<vmem>>
      %dma_start3A_44 = arith.constant 0 : i32
      %dma_start3A_45 = tpu.memref_slice %arg5[%dma_start3A_40, %dma_start3A_44] : memref<8x128xi32, #tpu.memory_space<vmem>> -> memref<1x128xi32, #tpu.memory_space<vmem>>
      %dma_start3A_46 = tpu.memref_squeeze %dma_start3A_45 : memref<1x128xi32, #tpu.memory_space<vmem>> -> memref<128xi32, #tpu.memory_space<vmem>>
      %dma_start3A_47 = arith.constant 0 : i32
      %dma_start3A_48 = arith.constant 0 : i32
      %dma_start3A_49 = tpu.memref_slice %arg3[%dma_start3A_47, %dma_start3A_48] : memref<2600000x16xf32, #tpu.memory_space<hbm>> -> memref<2600000x16xf32, #tpu.memory_space<hbm>>
      tpu.enqueue_indirect_dma source(%dma_start3A_49 : memref<2600000x16xf32, #tpu.memory_space<hbm>>) target(%dma_start3A_43 : memref<128x16xf32, #tpu.memory_space<vmem>>) offsets(%dma_start3A_46 : memref<128xi32, #tpu.memory_space<vmem>>) semaphore(%arg8 : memref<!tpu.dma_semaphore, #tpu.memory_space<semaphore_mem>>)
      %dma_start3A_50 = arith.constant 3 : i32
      %dma_start3A_51 = arith.constant 384 : i32
      %dma_start3A_52 = arith.constant 0 : i32
      %dma_start3A_53 = tpu.memref_slice %arg6[%dma_start3A_51, %dma_start3A_52] : memref<1024x16xf32, #tpu.memory_space<vmem>> -> memref<128x16xf32, #tpu.memory_space<vmem>>
      %dma_start3A_54 = arith.constant 0 : i32
      %dma_start3A_55 = tpu.memref_slice %arg5[%dma_start3A_50, %dma_start3A_54] : memref<8x128xi32, #tpu.memory_space<vmem>> -> memref<1x128xi32, #tpu.memory_space<vmem>>
      %dma_start3A_56 = tpu.memref_squeeze %dma_start3A_55 : memref<1x128xi32, #tpu.memory_space<vmem>> -> memref<128xi32, #tpu.memory_space<vmem>>
      %dma_start3A_57 = arith.constant 0 : i32
      %dma_start3A_58 = arith.constant 0 : i32
      %dma_start3A_59 = tpu.memref_slice %arg3[%dma_start3A_57, %dma_start3A_58] : memref<2600000x16xf32, #tpu.memory_space<hbm>> -> memref<2600000x16xf32, #tpu.memory_space<hbm>>
      tpu.enqueue_indirect_dma source(%dma_start3A_59 : memref<2600000x16xf32, #tpu.memory_space<hbm>>) target(%dma_start3A_53 : memref<128x16xf32, #tpu.memory_space<vmem>>) offsets(%dma_start3A_56 : memref<128xi32, #tpu.memory_space<vmem>>) semaphore(%arg8 : memref<!tpu.dma_semaphore, #tpu.memory_space<semaphore_mem>>)
      %dma_start3A_60 = arith.constant 4 : i32
      %dma_start3A_61 = arith.constant 512 : i32
      %dma_start3A_62 = arith.constant 0 : i32
      %dma_start3A_63 = tpu.memref_slice %arg6[%dma_start3A_61, %dma_start3A_62] : memref<1024x16xf32, #tpu.memory_space<vmem>> -> memref<128x16xf32, #tpu.memory_space<vmem>>
      %dma_start3A_64 = arith.constant 0 : i32
      %dma_start3A_65 = tpu.memref_slice %arg5[%dma_start3A_60, %dma_start3A_64] : memref<8x128xi32, #tpu.memory_space<vmem>> -> memref<1x128xi32, #tpu.memory_space<vmem>>
      %dma_start3A_66 = tpu.memref_squeeze %dma_start3A_65 : memref<1x128xi32, #tpu.memory_space<vmem>> -> memref<128xi32, #tpu.memory_space<vmem>>
      %dma_start3A_67 = arith.constant 0 : i32
      %dma_start3A_68 = arith.constant 0 : i32
      %dma_start3A_69 = tpu.memref_slice %arg3[%dma_start3A_67, %dma_start3A_68] : memref<2600000x16xf32, #tpu.memory_space<hbm>> -> memref<2600000x16xf32, #tpu.memory_space<hbm>>
      tpu.enqueue_indirect_dma source(%dma_start3A_69 : memref<2600000x16xf32, #tpu.memory_space<hbm>>) target(%dma_start3A_63 : memref<128x16xf32, #tpu.memory_space<vmem>>) offsets(%dma_start3A_66 : memref<128xi32, #tpu.memory_space<vmem>>) semaphore(%arg8 : memref<!tpu.dma_semaphore, #tpu.memory_space<semaphore_mem>>)
      %dma_start3A_70 = arith.constant 5 : i32
      %dma_start3A_71 = arith.constant 640 : i32
      %dma_start3A_72 = arith.constant 0 : i32
      %dma_start3A_73 = tpu.memref_slice %arg6[%dma_start3A_71, %dma_start3A_72] : memref<1024x16xf32, #tpu.memory_space<vmem>> -> memref<128x16xf32, #tpu.memory_space<vmem>>
      %dma_start3A_74 = arith.constant 0 : i32
      %dma_start3A_75 = tpu.memref_slice %arg5[%dma_start3A_70, %dma_start3A_74] : memref<8x128xi32, #tpu.memory_space<vmem>> -> memref<1x128xi32, #tpu.memory_space<vmem>>
      %dma_start3A_76 = tpu.memref_squeeze %dma_start3A_75 : memref<1x128xi32, #tpu.memory_space<vmem>> -> memref<128xi32, #tpu.memory_space<vmem>>
      %dma_start3A_77 = arith.constant 0 : i32
      %dma_start3A_78 = arith.constant 0 : i32
      %dma_start3A_79 = tpu.memref_slice %arg3[%dma_start3A_77, %dma_start3A_78] : memref<2600000x16xf32, #tpu.memory_space<hbm>> -> memref<2600000x16xf32, #tpu.memory_space<hbm>>
      tpu.enqueue_indirect_dma source(%dma_start3A_79 : memref<2600000x16xf32, #tpu.memory_space<hbm>>) target(%dma_start3A_73 : memref<128x16xf32, #tpu.memory_space<vmem>>) offsets(%dma_start3A_76 : memref<128xi32, #tpu.memory_space<vmem>>) semaphore(%arg8 : memref<!tpu.dma_semaphore, #tpu.memory_space<semaphore_mem>>)
      %dma_start3A_80 = arith.constant 6 : i32
      %dma_start3A_81 = arith.constant 768 : i32
      %dma_start3A_82 = arith.constant 0 : i32
      %dma_start3A_83 = tpu.memref_slice %arg6[%dma_start3A_81, %dma_start3A_82] : memref<1024x16xf32, #tpu.memory_space<vmem>> -> memref<128x16xf32, #tpu.memory_space<vmem>>
      %dma_start3A_84 = arith.constant 0 : i32
      %dma_start3A_85 = tpu.memref_slice %arg5[%dma_start3A_80, %dma_start3A_84] : memref<8x128xi32, #tpu.memory_space<vmem>> -> memref<1x128xi32, #tpu.memory_space<vmem>>
      %dma_start3A_86 = tpu.memref_squeeze %dma_start3A_85 : memref<1x128xi32, #tpu.memory_space<vmem>> -> memref<128xi32, #tpu.memory_space<vmem>>
      %dma_start3A_87 = arith.constant 0 : i32
      %dma_start3A_88 = arith.constant 0 : i32
      %dma_start3A_89 = tpu.memref_slice %arg3[%dma_start3A_87, %dma_start3A_88] : memref<2600000x16xf32, #tpu.memory_space<hbm>> -> memref<2600000x16xf32, #tpu.memory_space<hbm>>
      tpu.enqueue_indirect_dma source(%dma_start3A_89 : memref<2600000x16xf32, #tpu.memory_space<hbm>>) target(%dma_start3A_83 : memref<128x16xf32, #tpu.memory_space<vmem>>) offsets(%dma_start3A_86 : memref<128xi32, #tpu.memory_space<vmem>>) semaphore(%arg8 : memref<!tpu.dma_semaphore, #tpu.memory_space<semaphore_mem>>)
      %dma_start3A_90 = arith.constant 7 : i32
      %dma_start3A_91 = arith.constant 896 : i32
      %dma_start3A_92 = arith.constant 0 : i32
      %dma_start3A_93 = tpu.memref_slice %arg6[%dma_start3A_91, %dma_start3A_92] : memref<1024x16xf32, #tpu.memory_space<vmem>> -> memref<128x16xf32, #tpu.memory_space<vmem>>
      %dma_start3A_94 = arith.constant 0 : i32
      %dma_start3A_95 = tpu.memref_slice %arg5[%dma_start3A_90, %dma_start3A_94] : memref<8x128xi32, #tpu.memory_space<vmem>> -> memref<1x128xi32, #tpu.memory_space<vmem>>
      %dma_start3A_96 = tpu.memref_squeeze %dma_start3A_95 : memref<1x128xi32, #tpu.memory_space<vmem>> -> memref<128xi32, #tpu.memory_space<vmem>>
      %dma_start3A_97 = arith.constant 0 : i32
      %dma_start3A_98 = arith.constant 0 : i32
      %dma_start3A_99 = tpu.memref_slice %arg3[%dma_start3A_97, %dma_start3A_98] : memref<2600000x16xf32, #tpu.memory_space<hbm>> -> memref<2600000x16xf32, #tpu.memory_space<hbm>>
      tpu.enqueue_indirect_dma source(%dma_start3A_99 : memref<2600000x16xf32, #tpu.memory_space<hbm>>) target(%dma_start3A_93 : memref<128x16xf32, #tpu.memory_space<vmem>>) offsets(%dma_start3A_96 : memref<128xi32, #tpu.memory_space<vmem>>) semaphore(%arg8 : memref<!tpu.dma_semaphore, #tpu.memory_space<semaphore_mem>>)
      %dma_wait3A = arith.constant 0 : i32
      %dma_wait3A_100 = arith.constant 0 : i32
      %dma_wait3A_101 = arith.constant 0 : i32
      %dma_wait3A_102 = tpu.memref_slice %arg6[%dma_wait3A_100, %dma_wait3A_101] : memref<1024x16xf32, #tpu.memory_space<vmem>> -> memref<128x16xf32, #tpu.memory_space<vmem>>
      %dma_wait3A_103 = arith.constant 0 : i32
      %dma_wait3A_104 = tpu.memref_slice %arg5[%dma_wait3A, %dma_wait3A_103] : memref<8x128xi32, #tpu.memory_space<vmem>> -> memref<1x128xi32, #tpu.memory_space<vmem>>
      %dma_wait3A_105 = tpu.memref_squeeze %dma_wait3A_104 : memref<1x128xi32, #tpu.memory_space<vmem>> -> memref<128xi32, #tpu.memory_space<vmem>>
      %dma_wait3A_106 = arith.constant 0 : i32
      %dma_wait3A_107 = arith.constant 0 : i32
      %dma_wait3A_108 = tpu.memref_slice %arg3[%dma_wait3A_106, %dma_wait3A_107] : memref<2600000x16xf32, #tpu.memory_space<hbm>> -> memref<2600000x16xf32, #tpu.memory_space<hbm>>
      tpu.wait_indirect_dma semaphore(%arg8 : memref<!tpu.dma_semaphore, #tpu.memory_space<semaphore_mem>>) src(%dma_wait3A_108 : memref<2600000x16xf32, #tpu.memory_space<hbm>>) dst(%dma_wait3A_102 : memref<128x16xf32, #tpu.memory_space<vmem>>)
      %dma_wait3A_109 = arith.constant 1 : i32
      %dma_wait3A_110 = arith.constant 128 : i32
      %dma_wait3A_111 = arith.constant 0 : i32
      %dma_wait3A_112 = tpu.memref_slice %arg6[%dma_wait3A_110, %dma_wait3A_111] : memref<1024x16xf32, #tpu.memory_space<vmem>> -> memref<128x16xf32, #tpu.memory_space<vmem>>
      %dma_wait3A_113 = arith.constant 0 : i32
      %dma_wait3A_114 = tpu.memref_slice %arg5[%dma_wait3A_109, %dma_wait3A_113] : memref<8x128xi32, #tpu.memory_space<vmem>> -> memref<1x128xi32, #tpu.memory_space<vmem>>
      %dma_wait3A_115 = tpu.memref_squeeze %dma_wait3A_114 : memref<1x128xi32, #tpu.memory_space<vmem>> -> memref<128xi32, #tpu.memory_space<vmem>>
      %dma_wait3A_116 = arith.constant 0 : i32
      %dma_wait3A_117 = arith.constant 0 : i32
      %dma_wait3A_118 = tpu.memref_slice %arg3[%dma_wait3A_116, %dma_wait3A_117] : memref<2600000x16xf32, #tpu.memory_space<hbm>> -> memref<2600000x16xf32, #tpu.memory_space<hbm>>
      tpu.wait_indirect_dma semaphore(%arg8 : memref<!tpu.dma_semaphore, #tpu.memory_space<semaphore_mem>>) src(%dma_wait3A_118 : memref<2600000x16xf32, #tpu.memory_space<hbm>>) dst(%dma_wait3A_112 : memref<128x16xf32, #tpu.memory_space<vmem>>)
      %dma_wait3A_119 = arith.constant 2 : i32
      %dma_wait3A_120 = arith.constant 256 : i32
      %dma_wait3A_121 = arith.constant 0 : i32
      %dma_wait3A_122 = tpu.memref_slice %arg6[%dma_wait3A_120, %dma_wait3A_121] : memref<1024x16xf32, #tpu.memory_space<vmem>> -> memref<128x16xf32, #tpu.memory_space<vmem>>
      %dma_wait3A_123 = arith.constant 0 : i32
      %dma_wait3A_124 = tpu.memref_slice %arg5[%dma_wait3A_119, %dma_wait3A_123] : memref<8x128xi32, #tpu.memory_space<vmem>> -> memref<1x128xi32, #tpu.memory_space<vmem>>
      %dma_wait3A_125 = tpu.memref_squeeze %dma_wait3A_124 : memref<1x128xi32, #tpu.memory_space<vmem>> -> memref<128xi32, #tpu.memory_space<vmem>>
      %dma_wait3A_126 = arith.constant 0 : i32
      %dma_wait3A_127 = arith.constant 0 : i32
      %dma_wait3A_128 = tpu.memref_slice %arg3[%dma_wait3A_126, %dma_wait3A_127] : memref<2600000x16xf32, #tpu.memory_space<hbm>> -> memref<2600000x16xf32, #tpu.memory_space<hbm>>
      tpu.wait_indirect_dma semaphore(%arg8 : memref<!tpu.dma_semaphore, #tpu.memory_space<semaphore_mem>>) src(%dma_wait3A_128 : memref<2600000x16xf32, #tpu.memory_space<hbm>>) dst(%dma_wait3A_122 : memref<128x16xf32, #tpu.memory_space<vmem>>)
      %dma_wait3A_129 = arith.constant 3 : i32
      %dma_wait3A_130 = arith.constant 384 : i32
      %dma_wait3A_131 = arith.constant 0 : i32
      %dma_wait3A_132 = tpu.memref_slice %arg6[%dma_wait3A_130, %dma_wait3A_131] : memref<1024x16xf32, #tpu.memory_space<vmem>> -> memref<128x16xf32, #tpu.memory_space<vmem>>
      %dma_wait3A_133 = arith.constant 0 : i32
      %dma_wait3A_134 = tpu.memref_slice %arg5[%dma_wait3A_129, %dma_wait3A_133] : memref<8x128xi32, #tpu.memory_space<vmem>> -> memref<1x128xi32, #tpu.memory_space<vmem>>
      %dma_wait3A_135 = tpu.memref_squeeze %dma_wait3A_134 : memref<1x128xi32, #tpu.memory_space<vmem>> -> memref<128xi32, #tpu.memory_space<vmem>>
      %dma_wait3A_136 = arith.constant 0 : i32
      %dma_wait3A_137 = arith.constant 0 : i32
      %dma_wait3A_138 = tpu.memref_slice %arg3[%dma_wait3A_136, %dma_wait3A_137] : memref<2600000x16xf32, #tpu.memory_space<hbm>> -> memref<2600000x16xf32, #tpu.memory_space<hbm>>
      tpu.wait_indirect_dma semaphore(%arg8 : memref<!tpu.dma_semaphore, #tpu.memory_space<semaphore_mem>>) src(%dma_wait3A_138 : memref<2600000x16xf32, #tpu.memory_space<hbm>>) dst(%dma_wait3A_132 : memref<128x16xf32, #tpu.memory_space<vmem>>)
      %dma_wait3A_139 = arith.constant 4 : i32
      %dma_wait3A_140 = arith.constant 512 : i32
      %dma_wait3A_141 = arith.constant 0 : i32
      %dma_wait3A_142 = tpu.memref_slice %arg6[%dma_wait3A_140, %dma_wait3A_141] : memref<1024x16xf32, #tpu.memory_space<vmem>> -> memref<128x16xf32, #tpu.memory_space<vmem>>
      %dma_wait3A_143 = arith.constant 0 : i32
      %dma_wait3A_144 = tpu.memref_slice %arg5[%dma_wait3A_139, %dma_wait3A_143] : memref<8x128xi32, #tpu.memory_space<vmem>> -> memref<1x128xi32, #tpu.memory_space<vmem>>
      %dma_wait3A_145 = tpu.memref_squeeze %dma_wait3A_144 : memref<1x128xi32, #tpu.memory_space<vmem>> -> memref<128xi32, #tpu.memory_space<vmem>>
      %dma_wait3A_146 = arith.constant 0 : i32
      %dma_wait3A_147 = arith.constant 0 : i32
      %dma_wait3A_148 = tpu.memref_slice %arg3[%dma_wait3A_146, %dma_wait3A_147] : memref<2600000x16xf32, #tpu.memory_space<hbm>> -> memref<2600000x16xf32, #tpu.memory_space<hbm>>
      tpu.wait_indirect_dma semaphore(%arg8 : memref<!tpu.dma_semaphore, #tpu.memory_space<semaphore_mem>>) src(%dma_wait3A_148 : memref<2600000x16xf32, #tpu.memory_space<hbm>>) dst(%dma_wait3A_142 : memref<128x16xf32, #tpu.memory_space<vmem>>)
      %dma_wait3A_149 = arith.constant 5 : i32
      %dma_wait3A_150 = arith.constant 640 : i32
      %dma_wait3A_151 = arith.constant 0 : i32
      %dma_wait3A_152 = tpu.memref_slice %arg6[%dma_wait3A_150, %dma_wait3A_151] : memref<1024x16xf32, #tpu.memory_space<vmem>> -> memref<128x16xf32, #tpu.memory_space<vmem>>
      %dma_wait3A_153 = arith.constant 0 : i32
      %dma_wait3A_154 = tpu.memref_slice %arg5[%dma_wait3A_149, %dma_wait3A_153] : memref<8x128xi32, #tpu.memory_space<vmem>> -> memref<1x128xi32, #tpu.memory_space<vmem>>
      %dma_wait3A_155 = tpu.memref_squeeze %dma_wait3A_154 : memref<1x128xi32, #tpu.memory_space<vmem>> -> memref<128xi32, #tpu.memory_space<vmem>>
      %dma_wait3A_156 = arith.constant 0 : i32
      %dma_wait3A_157 = arith.constant 0 : i32
      %dma_wait3A_158 = tpu.memref_slice %arg3[%dma_wait3A_156, %dma_wait3A_157] : memref<2600000x16xf32, #tpu.memory_space<hbm>> -> memref<2600000x16xf32, #tpu.memory_space<hbm>>
      tpu.wait_indirect_dma semaphore(%arg8 : memref<!tpu.dma_semaphore, #tpu.memory_space<semaphore_mem>>) src(%dma_wait3A_158 : memref<2600000x16xf32, #tpu.memory_space<hbm>>) dst(%dma_wait3A_152 : memref<128x16xf32, #tpu.memory_space<vmem>>)
      %dma_wait3A_159 = arith.constant 6 : i32
      %dma_wait3A_160 = arith.constant 768 : i32
      %dma_wait3A_161 = arith.constant 0 : i32
      %dma_wait3A_162 = tpu.memref_slice %arg6[%dma_wait3A_160, %dma_wait3A_161] : memref<1024x16xf32, #tpu.memory_space<vmem>> -> memref<128x16xf32, #tpu.memory_space<vmem>>
      %dma_wait3A_163 = arith.constant 0 : i32
      %dma_wait3A_164 = tpu.memref_slice %arg5[%dma_wait3A_159, %dma_wait3A_163] : memref<8x128xi32, #tpu.memory_space<vmem>> -> memref<1x128xi32, #tpu.memory_space<vmem>>
      %dma_wait3A_165 = tpu.memref_squeeze %dma_wait3A_164 : memref<1x128xi32, #tpu.memory_space<vmem>> -> memref<128xi32, #tpu.memory_space<vmem>>
      %dma_wait3A_166 = arith.constant 0 : i32
      %dma_wait3A_167 = arith.constant 0 : i32
      %dma_wait3A_168 = tpu.memref_slice %arg3[%dma_wait3A_166, %dma_wait3A_167] : memref<2600000x16xf32, #tpu.memory_space<hbm>> -> memref<2600000x16xf32, #tpu.memory_space<hbm>>
      tpu.wait_indirect_dma semaphore(%arg8 : memref<!tpu.dma_semaphore, #tpu.memory_space<semaphore_mem>>) src(%dma_wait3A_168 : memref<2600000x16xf32, #tpu.memory_space<hbm>>) dst(%dma_wait3A_162 : memref<128x16xf32, #tpu.memory_space<vmem>>)
      %dma_wait3A_169 = arith.constant 7 : i32
      %dma_wait3A_170 = arith.constant 896 : i32
      %dma_wait3A_171 = arith.constant 0 : i32
      %dma_wait3A_172 = tpu.memref_slice %arg6[%dma_wait3A_170, %dma_wait3A_171] : memref<1024x16xf32, #tpu.memory_space<vmem>> -> memref<128x16xf32, #tpu.memory_space<vmem>>
      %dma_wait3A_173 = arith.constant 0 : i32
      %dma_wait3A_174 = tpu.memref_slice %arg5[%dma_wait3A_169, %dma_wait3A_173] : memref<8x128xi32, #tpu.memory_space<vmem>> -> memref<1x128xi32, #tpu.memory_space<vmem>>
      %dma_wait3A_175 = tpu.memref_squeeze %dma_wait3A_174 : memref<1x128xi32, #tpu.memory_space<vmem>> -> memref<128xi32, #tpu.memory_space<vmem>>
      %dma_wait3A_176 = arith.constant 0 : i32
      %dma_wait3A_177 = arith.constant 0 : i32
      %dma_wait3A_178 = tpu.memref_slice %arg3[%dma_wait3A_176, %dma_wait3A_177] : memref<2600000x16xf32, #tpu.memory_space<hbm>> -> memref<2600000x16xf32, #tpu.memory_space<hbm>>
      tpu.wait_indirect_dma semaphore(%arg8 : memref<!tpu.dma_semaphore, #tpu.memory_space<semaphore_mem>>) src(%dma_wait3A_178 : memref<2600000x16xf32, #tpu.memory_space<hbm>>) dst(%dma_wait3A_172 : memref<128x16xf32, #tpu.memory_space<vmem>>)
      %scan3A_179 = arith.constant 0 : i32
      %scan3A_180 = arith.constant 0 : i32
      %scan3A_181 = arith.constant 1024 : i32
      %scan3A_182 = arith.addi %scan3A_180, %scan3A_181 : i32
      %scan3A_183 = arith.constant 1 : i32
      %scan3A_184 = scf.for %scan3A_188 = %scan3A_180 to %scan3A_182 step %scan3A_183 iter_args(%scan3A_189 = %scan3A_179) -> (i32)  : i32 {
        %mul3A_190 = arith.constant 16 : i32
        %mul3A_191 = arith.muli %scan3A_188, %mul3A_190 : i32
        %get3A = arith.index_cast %scan3A_188 : i32 to index
        %get3A_192 = arith.constant 0 : index
        %get3A_193 = tpu.vector_load %arg6[%get3A, %get3A_192] {strides = array<i32>} : memref<1024x16xf32, #tpu.memory_space<vmem>>, vector<1x16xf32>,
        %get3A_194 = vector.shape_cast %get3A_193 : vector<1x16xf32> to vector<16xf32>
        %jit3A = arith.constant 128 : i32
        %div3A = arith.divsi %mul3A_191, %jit3A : i32
        %sign3A = arith.constant 0 : i32
        %sign3A_195 = arith.cmpi sgt, %mul3A_191, %sign3A : i32
        %sign3A_196 = arith.extui %sign3A_195 : i1 to i32
        %sign3A_197 = arith.constant 0 : i32
        %sign3A_198 = arith.cmpi slt, %mul3A_191, %sign3A_197 : i32
        %sign3A_199 = arith.extui %sign3A_198 : i1 to i32
        %sign3A_200 = arith.subi %sign3A_196, %sign3A_199 : i32
        %sign3A_201 = arith.constant 0 : i32
        %sign3A_202 = arith.cmpi sgt, %jit3A, %sign3A_201 : i32
        %sign3A_203 = arith.extui %sign3A_202 : i1 to i32
        %sign3A_204 = arith.constant 0 : i32
        %sign3A_205 = arith.cmpi slt, %jit3A, %sign3A_204 : i32
        %sign3A_206 = arith.extui %sign3A_205 : i1 to i32
        %sign3A_207 = arith.subi %sign3A_203, %sign3A_206 : i32
        %ne3A = arith.cmpi ne, %sign3A_200, %sign3A_207 : i32
        %rem3A = arith.remsi %mul3A_191, %jit3A : i32
        %ne3A_208 = arith.constant 0 : i32
        %ne3A_209 = arith.cmpi ne, %rem3A, %ne3A_208 : i32
        %and3A = arith.andi %ne3A, %ne3A_209 : i1
        %sub3A = arith.constant 1 : i32
        %sub3A_210 = arith.subi %div3A, %sub3A : i32
        %select_n3A = arith.select %and3A, %sub3A_210, %div3A : i32
        %jit3A_211 = arith.constant 128 : i32
        %eq3A = arith.constant 0 : i32
        %eq3A_212 = arith.cmpi eq, %jit3A_211, %eq3A : i32
        %jit3A_213 = arith.constant 1 : i32
        %select_n3A_214 = arith.select %eq3A_212, %jit3A_213, %jit3A_211 : i32
        %rem3A_215 = arith.remsi %mul3A_191, %select_n3A_214 : i32
        %ne3A_216 = arith.constant 0 : i32
        %ne3A_217 = arith.cmpi ne, %rem3A_215, %ne3A_216 : i32
        %lt3A = arith.constant 0 : i32
        %lt3A_218 = arith.cmpi slt, %rem3A_215, %lt3A : i32
        %lt3A_219 = arith.constant 0 : i32
        %lt3A_220 = arith.cmpi slt, %select_n3A_214, %lt3A_219 : i32
        %ne3A_221 = arith.xori %lt3A_218, %lt3A_220 : i1
        %and3A_222 = arith.andi %ne3A_221, %ne3A_217 : i1
        %add3A_223 = arith.addi %rem3A_215, %select_n3A_214 : i32
        %select_n3A_224 = arith.select %and3A_222, %add3A_223, %rem3A_215 : i32
        %swap3A = arith.index_cast %select_n3A : i32 to index
        %swap3A_225 = arith.index_cast %select_n3A_224 : i32 to index
        %swap3A_226 = tpu.vector_load %arg7[%swap3A, %swap3A_225] {strides = array<i32>} : memref<128x128xf32, #tpu.memory_space<vmem>>, vector<1x16xf32>,
        %swap3A_227 = vector.shape_cast %swap3A_226 : vector<1x16xf32> to vector<16xf32>
        %swap3A_228 = vector.shape_cast %get3A_194 : vector<16xf32> to vector<1x16xf32>
        tpu.vector_store %arg7[%swap3A, %swap3A_225], %swap3A_228 {strides = array<i32>} : memref<128x128xf32, #tpu.memory_space<vmem>>, vector<1x16xf32>,
        %scan3A_229 = arith.constant 0 : i32
        scf.yield %scan3A_229 : i32
      }
      %scan3A_185 = arith.constant 1024 : i32
      %mul3A_186 = arith.constant 16 : i32
      %mul3A_187 = arith.muli %add3A_11, %mul3A_186 : i32
      "tpu.region"() ({
        %run_scoped3A = tpu.sem_alloc : memref<!tpu.dma_semaphore, #tpu.memory_space<semaphore_mem>>
        %dma_start3A_188 = arith.constant 0 : i32
        %dma_start3A_189 = tpu.memref_slice %arg4[%mul3A_187, %dma_start3A_188] : memref<53248x128xf32, #tpu.memory_space<hbm>> -> memref<128x128xf32, #tpu.memory_space<hbm>>
        %dma_start3A_190 = arith.constant 0 : i32
        %dma_start3A_191 = tpu.memref_slice %arg4[%mul3A_187, %dma_start3A_190] : memref<53248x128xf32, #tpu.memory_space<hbm>> -> memref<128x128xf32, #tpu.memory_space<hbm>>
        tpu.enqueue_dma source(%arg7 : memref<128x128xf32, #tpu.memory_space<vmem>>) target(%dma_start3A_191 : memref<128x128xf32, #tpu.memory_space<hbm>>) target_semaphore(%run_scoped3A : memref<!tpu.dma_semaphore, #tpu.memory_space<semaphore_mem>>)
        %dma_wait3A_192 = arith.constant 0 : i32
        %dma_wait3A_193 = tpu.memref_slice %arg4[%mul3A_187, %dma_wait3A_192] : memref<53248x128xf32, #tpu.memory_space<hbm>> -> memref<128x128xf32, #tpu.memory_space<hbm>>
        %dma_wait3A_194 = arith.constant 0 : i32
        %dma_wait3A_195 = tpu.memref_slice %arg4[%mul3A_187, %dma_wait3A_194] : memref<53248x128xf32, #tpu.memory_space<hbm>> -> memref<128x128xf32, #tpu.memory_space<hbm>>
        tpu.wait_dma2 semaphore(%run_scoped3A : memref<!tpu.dma_semaphore, #tpu.memory_space<semaphore_mem>>) src(%arg7 : memref<128x128xf32, #tpu.memory_space<vmem>>) dst(%dma_wait3A_195 : memref<128x128xf32, #tpu.memory_space<hbm>>)
        tpu.yield
      }) : () -> ()
    }
    %scan3A_7 = arith.constant 13 : i32
    return
  }
}

module attributes {stable_mosaic.version = 14 : i64} {
  func.func @_wide_deep_body(%arg0: i32, %arg1: memref<1024x13xf32, #tpu.memory_space<vmem>>, %arg2: memref<1024x2600xf32, #tpu.memory_space<vmem>>, %arg3: memref<1024x416xf32, #tpu.memory_space<vmem>>, %arg4: memref<1x13xf32, #tpu.memory_space<vmem>>, %arg5: memref<1x2600xf32, #tpu.memory_space<vmem>>, %arg6: memref<1x1xf32, #tpu.memory_space<vmem>>, %arg7: memref<13x1024xf32, #tpu.memory_space<vmem>>, %arg8: memref<416x1024xf32, #tpu.memory_space<vmem>>, %arg9: memref<1x1024xf32, #tpu.memory_space<vmem>>, %arg10: memref<1024x512xf32, #tpu.memory_space<vmem>>, %arg11: memref<1x512xf32, #tpu.memory_space<vmem>>, %arg12: memref<512x256xf32, #tpu.memory_space<vmem>>, %arg13: memref<1x256xf32, #tpu.memory_space<vmem>>, %arg14: memref<1x256xf32, #tpu.memory_space<vmem>>, %arg15: memref<1x1xf32, #tpu.memory_space<vmem>>, %arg16: memref<1024x1xf32, #tpu.memory_space<vmem>>) attributes {dimension_semantics = [#tpu.dimension_semantics<arbitrary>], iteration_bounds = array<i64: 16>, scalar_prefetch = 0 : i64, scratch_operands = 0 : i64, tpu.core_type = #tpu.core_type<tc>, window_params = [{transform_indices = @transform_0, window_bounds = array<i64: 1024, 13>}, {transform_indices = @transform_1, window_bounds = array<i64: 1024, 2600>}, {transform_indices = @transform_2, window_bounds = array<i64: 1024, 416>}, {pipeline_mode = #tpu.pipeline_mode<synchronous>, transform_indices = @transform_3, window_bounds = array<i64: 1, 13>}, {pipeline_mode = #tpu.pipeline_mode<synchronous>, transform_indices = @transform_4, window_bounds = array<i64: 1, 2600>}, {pipeline_mode = #tpu.pipeline_mode<synchronous>, transform_indices = @transform_5, window_bounds = array<i64: 1, 1>}, {pipeline_mode = #tpu.pipeline_mode<synchronous>, transform_indices = @transform_6, window_bounds = array<i64: 13, 1024>}, {pipeline_mode = #tpu.pipeline_mode<synchronous>, transform_indices = @transform_7, window_bounds = array<i64: 416, 1024>}, {pipeline_mode = #tpu.pipeline_mode<synchronous>, transform_indices = @transform_8, window_bounds = array<i64: 1, 1024>}, {pipeline_mode = #tpu.pipeline_mode<synchronous>, transform_indices = @transform_9, window_bounds = array<i64: 1024, 512>}, {pipeline_mode = #tpu.pipeline_mode<synchronous>, transform_indices = @transform_10, window_bounds = array<i64: 1, 512>}, {pipeline_mode = #tpu.pipeline_mode<synchronous>, transform_indices = @transform_11, window_bounds = array<i64: 512, 256>}, {pipeline_mode = #tpu.pipeline_mode<synchronous>, transform_indices = @transform_12, window_bounds = array<i64: 1, 256>}, {pipeline_mode = #tpu.pipeline_mode<synchronous>, transform_indices = @transform_13, window_bounds = array<i64: 1, 256>}, {pipeline_mode = #tpu.pipeline_mode<synchronous>, transform_indices = @transform_14, window_bounds = array<i64: 1, 1>}, {transform_indices = @transform_15, window_bounds = array<i64: 1024, 1>}]} {
    %get3A = arith.constant 0 : index
    %get3A_0 = arith.constant 0 : index
    %get3A_1 = vector.load %arg1[%get3A, %get3A_0] : memref<1024x13xf32, #tpu.memory_space<vmem>>, vector<1024x13xf32>
    %get3A_2 = arith.constant 0 : index
    %get3A_3 = arith.constant 0 : index
    %get3A_4 = vector.load %arg4[%get3A_2, %get3A_3] : memref<1x13xf32, #tpu.memory_space<vmem>>, vector<1x13xf32>
    %mul3A = vector.broadcast %get3A_4 : vector<1x13xf32> to vector<1024x13xf32>
    %mul3A_5 = arith.mulf %get3A_1, %mul3A : vector<1024x13xf32>
    %reduce_sum3A = arith.constant dense<0.000000e+00> : vector<1024xf32>
    %reduce_sum3A_6 = vector.multi_reduction <add>, %mul3A_5, %reduce_sum3A [1] : vector<1024x13xf32> to vector<1024xf32>
    %broadcast_in_dim3A = vector.shape_cast %reduce_sum3A_6 : vector<1024xf32> to vector<1024x1xf32>
    %get3A_7 = arith.constant 0 : index
    %get3A_8 = arith.constant 0 : index
    %get3A_9 = vector.load %arg2[%get3A_7, %get3A_8] : memref<1024x2600xf32, #tpu.memory_space<vmem>>, vector<1024x2600xf32>
    %get3A_10 = arith.constant 0 : index
    %get3A_11 = arith.constant 0 : index
    %get3A_12 = vector.load %arg5[%get3A_10, %get3A_11] : memref<1x2600xf32, #tpu.memory_space<vmem>>, vector<1x2600xf32>
    %mul3A_13 = vector.broadcast %get3A_12 : vector<1x2600xf32> to vector<1024x2600xf32>
    %mul3A_14 = arith.mulf %get3A_9, %mul3A_13 : vector<1024x2600xf32>
    %reduce_sum3A_15 = arith.constant dense<0.000000e+00> : vector<1024xf32>
    %reduce_sum3A_16 = vector.multi_reduction <add>, %mul3A_14, %reduce_sum3A_15 [1] : vector<1024x2600xf32> to vector<1024xf32>
    %broadcast_in_dim3A_17 = vector.shape_cast %reduce_sum3A_16 : vector<1024xf32> to vector<1024x1xf32>
    %add3A = arith.addf %broadcast_in_dim3A, %broadcast_in_dim3A_17 : vector<1024x1xf32>
    %get3A_18 = arith.constant 0 : index
    %get3A_19 = arith.constant 0 : index
    %get3A_20 = vector.load %arg6[%get3A_18, %get3A_19] : memref<1x1xf32, #tpu.memory_space<vmem>>, vector<1x1xf32>
    %add3A_21 = vector.broadcast %get3A_20 : vector<1x1xf32> to vector<1024x1xf32>
    %add3A_22 = arith.addf %add3A, %add3A_21 : vector<1024x1xf32>
    %get3A_23 = arith.constant 0 : index
    %get3A_24 = arith.constant 0 : index
    %get3A_25 = vector.load %arg7[%get3A_23, %get3A_24] : memref<13x1024xf32, #tpu.memory_space<vmem>>, vector<13x1024xf32>
    %dot_general3A = arith.constant dense<0.000000e+00> : vector<1024x1024xf32>
    %dot_general3A_26 = tpu.matmul %get3A_1, %get3A_25, %dot_general3A {dimension_numbers = #tpu.dot_dimension_numbers<[1], [0], [0], [1], [0, 0, 1, 1], [], []>, transpose_lhs_hint = false} : vector<1024x13xf32>, vector<13x1024xf32>, vector<1024x1024xf32> -> vector<1024x1024xf32>
    %get3A_27 = arith.constant 0 : index
    %get3A_28 = arith.constant 0 : index
    %get3A_29 = vector.load %arg3[%get3A_27, %get3A_28] : memref<1024x416xf32, #tpu.memory_space<vmem>>, vector<1024x416xf32>
    %get3A_30 = arith.constant 0 : index
    %get3A_31 = arith.constant 0 : index
    %get3A_32 = vector.load %arg8[%get3A_30, %get3A_31] : memref<416x1024xf32, #tpu.memory_space<vmem>>, vector<416x1024xf32>
    %dot_general3A_33 = arith.constant dense<0.000000e+00> : vector<1024x1024xf32>
    %dot_general3A_34 = tpu.matmul %get3A_29, %get3A_32, %dot_general3A_33 {dimension_numbers = #tpu.dot_dimension_numbers<[1], [0], [0], [1], [0, 0, 1, 1], [], []>, transpose_lhs_hint = false} : vector<1024x416xf32>, vector<416x1024xf32>, vector<1024x1024xf32> -> vector<1024x1024xf32>
    %add3A_35 = arith.addf %dot_general3A_26, %dot_general3A_34 : vector<1024x1024xf32>
    %get3A_36 = arith.constant 0 : index
    %get3A_37 = arith.constant 0 : index
    %get3A_38 = vector.load %arg9[%get3A_36, %get3A_37] : memref<1x1024xf32, #tpu.memory_space<vmem>>, vector<1x1024xf32>
    %add3A_39 = vector.broadcast %get3A_38 : vector<1x1024xf32> to vector<1024x1024xf32>
    %add3A_40 = arith.addf %add3A_35, %add3A_39 : vector<1024x1024xf32>
    %max3A = arith.constant 0.000000e+00 : f32
    %max3A_41 = vector.broadcast %max3A : f32 to vector<1024x1024xf32>
    %max3A_42 = arith.maximumf %add3A_40, %max3A_41 : vector<1024x1024xf32>
    %get3A_43 = arith.constant 0 : index
    %get3A_44 = arith.constant 0 : index
    %get3A_45 = vector.load %arg10[%get3A_43, %get3A_44] : memref<1024x512xf32, #tpu.memory_space<vmem>>, vector<1024x512xf32>
    %dot_general3A_46 = arith.constant dense<0.000000e+00> : vector<1024x512xf32>
    %dot_general3A_47 = tpu.matmul %max3A_42, %get3A_45, %dot_general3A_46 {dimension_numbers = #tpu.dot_dimension_numbers<[1], [0], [0], [1], [0, 0, 1, 1], [], []>, transpose_lhs_hint = false} : vector<1024x1024xf32>, vector<1024x512xf32>, vector<1024x512xf32> -> vector<1024x512xf32>
    %get3A_48 = arith.constant 0 : index
    %get3A_49 = arith.constant 0 : index
    %get3A_50 = vector.load %arg11[%get3A_48, %get3A_49] : memref<1x512xf32, #tpu.memory_space<vmem>>, vector<1x512xf32>
    %add3A_51 = vector.broadcast %get3A_50 : vector<1x512xf32> to vector<1024x512xf32>
    %add3A_52 = arith.addf %dot_general3A_47, %add3A_51 : vector<1024x512xf32>
    %max3A_53 = arith.constant 0.000000e+00 : f32
    %max3A_54 = vector.broadcast %max3A_53 : f32 to vector<1024x512xf32>
    %max3A_55 = arith.maximumf %add3A_52, %max3A_54 : vector<1024x512xf32>
    %get3A_56 = arith.constant 0 : index
    %get3A_57 = arith.constant 0 : index
    %get3A_58 = vector.load %arg12[%get3A_56, %get3A_57] : memref<512x256xf32, #tpu.memory_space<vmem>>, vector<512x256xf32>
    %dot_general3A_59 = arith.constant dense<0.000000e+00> : vector<1024x256xf32>
    %dot_general3A_60 = tpu.matmul %max3A_55, %get3A_58, %dot_general3A_59 {dimension_numbers = #tpu.dot_dimension_numbers<[1], [0], [0], [1], [0, 0, 1, 1], [], []>, transpose_lhs_hint = false} : vector<1024x512xf32>, vector<512x256xf32>, vector<1024x256xf32> -> vector<1024x256xf32>
    %get3A_61 = arith.constant 0 : index
    %get3A_62 = arith.constant 0 : index
    %get3A_63 = vector.load %arg13[%get3A_61, %get3A_62] : memref<1x256xf32, #tpu.memory_space<vmem>>, vector<1x256xf32>
    %add3A_64 = vector.broadcast %get3A_63 : vector<1x256xf32> to vector<1024x256xf32>
    %add3A_65 = arith.addf %dot_general3A_60, %add3A_64 : vector<1024x256xf32>
    %max3A_66 = arith.constant 0.000000e+00 : f32
    %max3A_67 = vector.broadcast %max3A_66 : f32 to vector<1024x256xf32>
    %max3A_68 = arith.maximumf %add3A_65, %max3A_67 : vector<1024x256xf32>
    %get3A_69 = arith.constant 0 : index
    %get3A_70 = arith.constant 0 : index
    %get3A_71 = vector.load %arg14[%get3A_69, %get3A_70] : memref<1x256xf32, #tpu.memory_space<vmem>>, vector<1x256xf32>
    %mul3A_72 = vector.broadcast %get3A_71 : vector<1x256xf32> to vector<1024x256xf32>
    %mul3A_73 = arith.mulf %max3A_68, %mul3A_72 : vector<1024x256xf32>
    %reduce_sum3A_74 = arith.constant dense<0.000000e+00> : vector<1024xf32>
    %reduce_sum3A_75 = vector.multi_reduction <add>, %mul3A_73, %reduce_sum3A_74 [1] : vector<1024x256xf32> to vector<1024xf32>
    %broadcast_in_dim3A_76 = vector.shape_cast %reduce_sum3A_75 : vector<1024xf32> to vector<1024x1xf32>
    %get3A_77 = arith.constant 0 : index
    %get3A_78 = arith.constant 0 : index
    %get3A_79 = vector.load %arg15[%get3A_77, %get3A_78] : memref<1x1xf32, #tpu.memory_space<vmem>>, vector<1x1xf32>
    %add3A_80 = vector.broadcast %get3A_79 : vector<1x1xf32> to vector<1024x1xf32>
    %add3A_81 = arith.addf %broadcast_in_dim3A_76, %add3A_80 : vector<1024x1xf32>
    %add3A_82 = arith.addf %add3A_22, %add3A_81 : vector<1024x1xf32>
    %mul3A_83 = arith.constant 5.000000e-01 : f32
    %mul3A_84 = vector.broadcast %mul3A_83 : f32 to vector<1024x1xf32>
    %mul3A_85 = arith.mulf %mul3A_84, %add3A_82 : vector<1024x1xf32>
    %logistic3A = arith.negf %mul3A_85 : vector<1024x1xf32>
    %logistic3A_86 = math.exp %logistic3A : vector<1024x1xf32>
    %logistic3A_87 = arith.constant 1.000000e+00 : f32
    %logistic3A_88 = vector.broadcast %logistic3A_87 : f32 to vector<1024x1xf32>
    %logistic3A_89 = arith.addf %logistic3A_88, %logistic3A_86 : vector<1024x1xf32>
    %logistic3A_90 = arith.divf %logistic3A_88, %logistic3A_89 : vector<1024x1xf32>
    %swap3A = arith.constant 0 : index
    %swap3A_91 = arith.constant 0 : index
    %swap3A_92 = vector.load %arg16[%swap3A, %swap3A_91] : memref<1024x1xf32, #tpu.memory_space<vmem>>, vector<1024x1xf32>
    tpu.vector_store %arg16[%swap3A, %swap3A_91], %logistic3A_90 {strides = array<i32>} : memref<1024x1xf32, #tpu.memory_space<vmem>>, vector<1024x1xf32>,
    return
  }
  func.func @transform_0(%arg0: i32) -> (i32, i32) {
    %c0_i32 = arith.constant 0 : i32
    %c0_i32_0 = arith.constant 0 : i32
    return %arg0, %c0_i32 : i32, i32
  }
  func.func @transform_1(%arg0: i32) -> (i32, i32) {
    %c0_i32 = arith.constant 0 : i32
    %c0_i32_0 = arith.constant 0 : i32
    return %arg0, %c0_i32 : i32, i32
  }
  func.func @transform_2(%arg0: i32) -> (i32, i32) {
    %c0_i32 = arith.constant 0 : i32
    %c0_i32_0 = arith.constant 0 : i32
    return %arg0, %c0_i32 : i32, i32
  }
  func.func @transform_3(%arg0: i32) -> (i32, i32) {
    %c0_i32 = arith.constant 0 : i32
    %c0_i32_0 = arith.constant 0 : i32
    %c0_i32_1 = arith.constant 0 : i32
    return %c0_i32, %c0_i32_0 : i32, i32
  }
  func.func @transform_4(%arg0: i32) -> (i32, i32) {
    %c0_i32 = arith.constant 0 : i32
    %c0_i32_0 = arith.constant 0 : i32
    %c0_i32_1 = arith.constant 0 : i32
    return %c0_i32, %c0_i32_0 : i32, i32
  }
  func.func @transform_5(%arg0: i32) -> (i32, i32) {
    %c0_i32 = arith.constant 0 : i32
    %c0_i32_0 = arith.constant 0 : i32
    %c0_i32_1 = arith.constant 0 : i32
    return %c0_i32, %c0_i32_0 : i32, i32
  }
  func.func @transform_6(%arg0: i32) -> (i32, i32) {
    %c0_i32 = arith.constant 0 : i32
    %c0_i32_0 = arith.constant 0 : i32
    %c0_i32_1 = arith.constant 0 : i32
    return %c0_i32, %c0_i32_0 : i32, i32
  }
  func.func @transform_7(%arg0: i32) -> (i32, i32) {
    %c0_i32 = arith.constant 0 : i32
    %c0_i32_0 = arith.constant 0 : i32
    %c0_i32_1 = arith.constant 0 : i32
    return %c0_i32, %c0_i32_0 : i32, i32
  }
  func.func @transform_8(%arg0: i32) -> (i32, i32) {
    %c0_i32 = arith.constant 0 : i32
    %c0_i32_0 = arith.constant 0 : i32
    %c0_i32_1 = arith.constant 0 : i32
    return %c0_i32, %c0_i32_0 : i32, i32
  }
  func.func @transform_9(%arg0: i32) -> (i32, i32) {
    %c0_i32 = arith.constant 0 : i32
    %c0_i32_0 = arith.constant 0 : i32
    %c0_i32_1 = arith.constant 0 : i32
    return %c0_i32, %c0_i32_0 : i32, i32
  }
  func.func @transform_10(%arg0: i32) -> (i32, i32) {
    %c0_i32 = arith.constant 0 : i32
    %c0_i32_0 = arith.constant 0 : i32
    %c0_i32_1 = arith.constant 0 : i32
    return %c0_i32, %c0_i32_0 : i32, i32
  }
  func.func @transform_11(%arg0: i32) -> (i32, i32) {
    %c0_i32 = arith.constant 0 : i32
    %c0_i32_0 = arith.constant 0 : i32
    %c0_i32_1 = arith.constant 0 : i32
    return %c0_i32, %c0_i32_0 : i32, i32
  }
  func.func @transform_12(%arg0: i32) -> (i32, i32) {
    %c0_i32 = arith.constant 0 : i32
    %c0_i32_0 = arith.constant 0 : i32
    %c0_i32_1 = arith.constant 0 : i32
    return %c0_i32, %c0_i32_0 : i32, i32
  }
  func.func @transform_13(%arg0: i32) -> (i32, i32) {
    %c0_i32 = arith.constant 0 : i32
    %c0_i32_0 = arith.constant 0 : i32
    %c0_i32_1 = arith.constant 0 : i32
    return %c0_i32, %c0_i32_0 : i32, i32
  }
  func.func @transform_14(%arg0: i32) -> (i32, i32) {
    %c0_i32 = arith.constant 0 : i32
    %c0_i32_0 = arith.constant 0 : i32
    %c0_i32_1 = arith.constant 0 : i32
    return %c0_i32, %c0_i32_0 : i32, i32
  }
  func.func @transform_15(%arg0: i32) -> (i32, i32) {
    %c0_i32 = arith.constant 0 : i32
    %c0_i32_0 = arith.constant 0 : i32
    return %arg0, %c0_i32 : i32, i32
  }
}

</mosaic_0001>

<sc_bundles>
// kernel: kernel.4.cloned.1.call-start
scs
__scs_entry_jumppad:
0x0: {  	(pc) =	sbr.rel $0x88, $3  }
0x1: {  	(tag) =	ssettag $0x0;
	lr =	simm.s32 $0x1  }
0x2: {  	[smem:$0x3F93] =	sst lr;
	_ =	strace $0xD0000000  }
0x3: {  	_ = 	snop  }
0x4: {  	_ = 	snop  }
0x5: {  	_ = 	snop  }
0x6: {  	_ = 	snop  }
0x7: {  	_ = 	snop  }
__scs_overlays_trampoline_lowered:
0x8: {  	[smem:$0x3FA2] =	sst s0  }
0x9: {  	[smem:$0x3FA3] =	sst s1  }
0xa: {  	[smem:$0x3FA4] =	sst s2  }
0xb: {  	[smem:$0x3FA5] =	sst s3  }
0xc: {  	[smem:$0x3FA6] =	sst s4  }
0xd: {  	[smem:$0x3FA7] =	sst s5  }
0xe: {  	[smem:$0x3FA8] =	sst s6  }
0xf: {  	[smem:$0x3FA9] =	sst s7  }
0x10: {  	[smem:$0x3FAA] =	sst s8  }
0x11: {  	[smem:$0x3FAB] =	sst s9;
	s0 =	simm.s32 @!p0 $0x0  }
0x12: {  	s1 =	sld [smem:$0x3F91];
	s0 =	simm.s32 @p0 $0x1  }
0x13: {  	[smem:$0x3FAC] =	sst s0;
	s0 =	simm.s32 @!p1 $0x0  }
0x14: {  	s2 =	sld [smem:$0x3F90];
	s0 =	simm.s32 @p1 $0x1  }
0x15: {  	[smem:$0x3FAD] =	sst s0;
	s0 =	simm.s32 @!p2 $0x0  }
0x16: {  	s3 =	sld [smem:$0x3FDB];
	s0 =	simm.s32 @p2 $0x1  }
0x17: {  	s4 =	simm.s32 $0x1BF5;
	[smem:$0x3FAF] =	sst s0  }
0x18: {  	s0 =	sld [smem:$0x3F92];
	_ =	swait.ge [sflag:s4], $0x0  }
0x19: {  	s7 =	sld [smem:$0x3F93]  }
0x1a: {  	s8 =	sadd.s32 $0xFFFFE003, lr  }
0x1b: {  	s9 =	sadd.s32 $0xFFFFFEF7, lr;
	s5 =	simm.s32 $0xFFFFFFFF;
	p2 =	slt.u32 s8, $0xFFFFF086  }
0x1c: {  	p1 =	slt.u32 s9, $0xF7A;
	s5 =	simm.s32 @!p2 $0x0  }
0x1d: {  	s5 =	simm.s32 @p1 $0x1;
	p0 =	seq.s32 s7, s2  }
0x1e: {  	s7 =	smul.u32 @!p0 $0xF7A, s2;
	p2 =	seq.s32 @!p0 s5, $0x0  }
0x1f: {  	s9 =	smul.u32 $0xF7A, s1;
	s8 =	simm.s32 @!p0 $0x1BF5;
	p2 =	por !p2, p0  }
0x20: {  	[sflag:s8] =	ssyncset.s32 @!p0 $0xFFFFF086;
	s6 =	sadd.s32 @!p0 s3, s7;
	s7 =	simm.s32 @!p0 $0x108  }
0x21: {  	s3 =	sadd.s32 s3, s9;
	s6 =	sadd.s32 @!p0 $0x88, s6;
	s7 =	simm.s32 @p2 $0x1082  }
0x22: {  	[simem:s7], [sflag:s8] =	dma.local @!p0 [hbm:s6], $0xF7A  }
0x23: {  	s9 =	sor.u32 $0xD0000000, s2;
	s6 =	simm.s32 $0x108;
	_ =	swait.ge @!p0 [sflag:s8], $0x0  }
0x24: {  	s3 =	sadd.s32 $0x88, s3;
	s6 =	simm.s32 @!p1 $0x1082;
	[sflag:s4] =	ssyncset.s32 $0xFFFFF086  }
0x25: {  	[simem:s6], [sflag:s4] =	dma.local [hbm:s3], $0xF7A  }
0x26: {  	[smem:$0x3F93] =	sst s1;
	(tag) =	ssettag s2;
	_ =	strace s9  }
0x27: {  	s1 =	sld [smem:$0x3FA3]  }
0x28: {  	s2 =	sld [smem:$0x3FA4]  }
0x29: {  	s4 =	sld [smem:$0x3FA6]  }
0x2a: {  	p0 =	seq.s32 s5, $0x0;
	s5 =	sld [smem:$0x3FA7]  }
0x2b: {  	s6 =	sld [smem:$0x3FA8]  }
0x2c: {  	s7 =	sld [smem:$0x3FA9]  }
0x2d: {  	s3 =	simm.s32 $0x108;
	s8 =	sld [smem:$0x3FAA]  }
0x2e: {  	s3 =	simm.s32 @!p0 $0x1082;
	s9 =	sld [smem:$0x3FAB]  }
0x2f: {  	lr =	sadd.s32 s0, s3;
	s0 =	sld [smem:$0x3FA2]  }
0x30: {  	s3 =	sld [smem:$0x3FA5]  }
0x31: {  	[smem:$0x3FAE] =	sst s10  }
0x32: {  	s10 =	sld [smem:$0x3FAC];
	_ =	sdelay $0x3  }
0x33: {  	p0 =	seq.s32 s10, $0x1;
	s10 =	sld [smem:$0x3FAE];
	_ =	sdelay $0x3  }
0x34: {  	[smem:$0x3FAE] =	sst s10  }
0x35: {  	s10 =	sld [smem:$0x3FAD];
	_ =	sdelay $0x3  }
0x36: {  	p1 =	seq.s32 s10, $0x1;
	s10 =	sld [smem:$0x3FAE];
	_ =	sdelay $0x3  }
0x37: {  	[smem:$0x3FAE] =	sst s10  }
0x38: {  	s10 =	sld [smem:$0x3FAF]  }
0x39: {  	_ = 	snop;
	(pc) =	sbr.ind lr, $3  }
0x3a: {  	_ = 	snop  }
0x3b: {  	_ = 	snop  }
0x3c: {  	p2 =	seq.s32 s10, $0x1;
	s10 =	sld [smem:$0x3FAE]  }
0x3d: {  	_ =	shalt  }
0x3e: {  	_ =	shalt  }
0x3f: {  	_ =	shalt  }
0x40: {  	_ =	shalt  }
0x41: {  	_ =	shalt  }
0x42: {  	_ =	shalt  }
0x43: {  	_ =	shalt  }
0x44: {  	_ =	shalt  }
0x45: {  	_ =	shalt  }
0x46: {  	_ =	shalt  }
0x47: {  	_ =	shalt  }
0x48: {  	_ =	shalt  }
0x49: {  	_ =	shalt  }
0x4a: {  	_ =	shalt  }
0x4b: {  	_ =	shalt  }
0x4c: {  	_ =	shalt  }
0x4d: {  	_ =	shalt  }
0x4e: {  	_ =	shalt  }
0x4f: {  	_ =	shalt  }
0x50: {  	_ =	shalt  }
0x51: {  	_ =	shalt  }
0x52: {  	_ =	shalt  }
0x53: {  	_ =	shalt  }
0x54: {  	_ =	shalt  }
0x55: {  	_ =	shalt  }
0x56: {  	_ =	shalt  }
0x57: {  	_ =	shalt  }
0x58: {  	_ =	shalt  }
0x59: {  	_ =	shalt  }
0x5a: {  	_ =	shalt  }
0x5b: {  	_ =	shalt  }
0x5c: {  	_ =	shalt  }
0x5d: {  	_ =	shalt  }
0x5e: {  	_ =	shalt  }
0x5f: {  	_ =	shalt  }
0x60: {  	_ =	shalt  }
0x61: {  	_ =	shalt  }
0x62: {  	_ =	shalt  }
0x63: {  	_ =	shalt  }
0x64: {  	_ =	shalt  }
0x65: {  	_ =	shalt  }
0x66: {  	_ =	shalt  }
0x67: {  	_ =	shalt  }
0x68: {  	_ =	shalt  }
0x69: {  	_ =	shalt  }
0x6a: {  	_ =	shalt  }
0x6b: {  	_ =	shalt  }
0x6c: {  	_ =	shalt  }
0x6d: {  	_ =	shalt  }
0x6e: {  	_ =	shalt  }
0x6f: {  	_ =	shalt  }
0x70: {  	_ =	shalt  }
0x71: {  	_ =	shalt  }
0x72: {  	_ =	shalt  }
0x73: {  	_ =	shalt  }
0x74: {  	_ =	shalt  }
0x75: {  	_ =	shalt  }
0x76: {  	_ =	shalt  }
0x77: {  	_ =	shalt  }
0x78: {  	_ =	shalt  }
0x79: {  	_ =	shalt  }
0x7a: {  	_ =	shalt  }
0x7b: {  	_ =	shalt  }
0x7c: {  	_ =	shalt  }
0x7d: {  	_ =	shalt  }
0x7e: {  	_ =	shalt  }
0x7f: {  	_ =	shalt  }
0x80: {  	_ =	shalt  }
0x81: {  	_ =	shalt  }
0x82: {  	_ =	shalt  }
0x83: {  	_ =	shalt  }
0x84: {  	_ =	shalt  }
0x85: {  	_ =	shalt  }
0x86: {  	_ =	shalt  }
0x87: {  	_ =	shalt  }
.Lfunc_end0:
.L_simem_size_0:
called_computation_lowered:
.L_overlay_start_0:
0x88: {  	s2 =	sld [smem:$0x3FD9]  }
0x89: {  	s3 =	sld [smem:$0x3FFE];
	_ =	sdelay $0x1  }
0x8a: {  	s1 =	srdreg.scid  }
0x8b: {  	s0 =	sand.u32 $0x1, s1  }
0x8c: {  	s16 =	sshll.u32 s0, $0xA;
	s2 =	sadd.s32 s3, s2  }
0x8d: {  	s2 =	sadd.s32 s2, s16  }
0x8e: {  	[smem:$0x3FBA] =	sst s2  }
0x8f: {  	_ = 	snop  }
0x90: {  	(tm) =	ssettm $0x1  }
0x91: {  	s17 =	sld [smem:$0x3FFB];
	_ =	sdelay $0x3  }
0x92: {  	_ =	strace s17  }
0x93: {  	s2 =	sld [smem:$0x3FFC];
	_ =	sdelay $0x3  }
0x94: {  	_ =	strace s2  }
0x95: {  	s2 =	sld [smem:$0x3FFD];
	_ =	sdelay $0x3  }
0x96: {  	_ =	strace s2  }
0x97: {  	_ =	strace $0x8FFFFFFF  }
0x98: {  	s18 =	sld [smem:$0x3FDB];
	_ =	sdelay $0x1  }
0x99: {  	s19 =	simm.s32 $_scs_section_size  }
0x9a: {  	s4 =	simm.s32 $_size__tile_overlayer_lowered;
	s5 =	simm.s32 $_tile_overlayer_lowered  }
0x9b: {  	s22 =	simm.s32 $0x1BFF;
	s21 =	sshll.u32 s5, $0x1;
	s2 =	sadd.s32 s19, s18  }
0x9c: {  	s6 =	simm.s32 $0x0;
	s20 =	sshll.u32 s4, $0x1;
	s4 =	sadd.s32 s21, s2  }
0x9d: {  	[timem:s6], [sflag:s22] =	dma.local [hbm:s4], s20  }
0x9e: {  	_ =	swait.ge [sflag:s22], s20  }
0x9f: {  	s3 =	ssub.s32 $0x0, s20;
	[sflag:s22] =	ssyncset.done $0x0  }
0xa0: {  	[sflag:s22] =	ssyncadd.s32 s3;
	_ =	sdelay $0x1  }
0xa1: {  	s23 =	simm.s32 $0x1B8B  }
0xa2: {  	_ =	swait.ge [sflag:s23], $0x1  }
0xa3: {  	[sflag:s23] =	ssyncset.done $0x0  }
0xa4: {  	s25 =	simm.s32 $0x1B8E;
	s24 =	sld [smem:$0x3FFE];
	[sflag:s23] =	ssyncadd.s32 $0xFFFFFFFF  }
0xa5: {  	s26 =	simm.s32 $execute0_lowered;
	[smem:$0x3FD2] =	sst s25  }
0xa6: {  	s4 =	sshll.u32 s26, $0x1;
	_ =	strace $0x80000046;
	[dreg:$0x1] =	wrdreg $0xFFFFFFFF  }
0xa7: {  	s28 =	simm.s32 $_size_execute0_lowered;
	s2 =	sadd.s32 s2, s4;
	[dreg:$0x0] =	wrdreg $0x0  }
0xa8: {  	s4 =	sshll.u32 s28, $0x1;
	[dreg:$0x2] =	wrdreg s2  }
0xa9: {  	[dreg:$0x3] =	wrdreg s4  }
0xaa: {  	[dreg:$0x4] =	wrdreg $0xC0  }
0xab: {  	_ =	task [dreg:s6], $0x5FFFF  }
0xac: {  	[dreg:$0x1] =	wrdreg $0xFFFFFFFF  }
0xad: {  	[dreg:$0x0] =	wrdreg $0x60  }
0xae: {  	[dreg:$0x2] =	wrdreg s24  }
0xaf: {  	[dreg:$0x3] =	wrdreg $0x9  }
0xb0: {  	_ =	task.clear_ibuf [dreg:s6], $0x4FFFF;
	_ =	strace $0x90000046  }
0xb1: {  	s29 =	simm.s32 $0x9;
	_ =	strace $0x80000048  }
0xb2: {  	_ =	swait.ge [sflag:s29], $0x1  }
0xb3: {  	[sflag:s29] =	ssyncadd.s32 $0xFFFFFFFF  }
0xb4: {  	_ =	strace $0x90000048  }
0xb5: {  	_ =	sfence  }
0xb6: {  	s30 =	sld [smem:$0x0];
	_ =	sdelay $0x2  }
0xb7: {  	s31 =	sshll.u32 s1, $0xD;
	s1 =	sshrl.u32 s1, $0x2  }
0xb8: {  	s3 =	sand.u32 $0x4000, s31;
	s1 =	sadd.s32 s1, s30  }
0xb9: {  	s0 =	sor.u32 s3, s0;
	s1 =	sshll.u32 s1, $0x11  }
0xba: {  	s0 =	sor.u32 s1, s0  }
0xbb: {  	s0 =	sadd.s32 $0x8F2B, s0  }
0xbc: {  	[sflag:s0] =	ssyncadd.remote.s32 $0x1  }
0xbd: {  	_ =	sfence.sel $0xFFFF  }
0xbe: {  	[dreg:$0x0] =	wrdreg $0xFFFFFFFF;
	(pc) =	sbr.abs _section_cstart, $3  }
0xbf: {  	[dreg:$0x1] =	wrdreg $0xFFFFFFFF  }
0xc0: {  	_ =	task.clear_ibuf [dreg:s6], $0x2FFFF;
	_ =	strace $0x9FFFFFFF  }
0xc1: {  	(tm) =	ssettm $0x7FFFFFFF  }
tec
execute0_lowered:
.L_overlay_start_1:
0x0: {  	(tag) =	ssettag $0x1  }
0x1: {  	s0 =	rddreg [dreg:$0x0];
	s1 =	simm.s32 $0x0  }
0x2: {  	s2 =	srdreg.scid;
	s29 =	stileid.u32;
	s10 =	simm.s32 $0x80  }
0x3: {  	s11 =	simm.s32 $0x400;
	s12 =	simm.s32 $0xC00;
	s13 =	simm.s32 $0x100  }
0x4: {  	s14 =	simm.s32 $0x1400;
	s15 =	simm.s32 $0x180;
	s16 =	simm.s32 $0x1C00  }
0x5: {  	s17 =	simm.s32 $0x200;
	s18 =	simm.s32 $0x2400;
	s19 =	simm.s32 $0x280  }
0x6: {  	s20 =	simm.s32 $0x2C00;
	s21 =	simm.s32 $0x300;
	s22 =	simm.s32 $0x3400  }
0x7: {  	s23 =	simm.s32 $0x380;
	s24 =	simm.s32 $0x3C00;
	s25 =	simm.s32 $0x1  }
0x8: {  	s26 =	simm.s32 $0x4400;
	[smem:$0x7FF] =	sst s1;
	s3 =	sadd.s32 $0x1800, s0  }
0x9: {  	s2 =	sand.u32 $0x1, s2;
	s5 =	sshll.u32 s29, $0x1;
	s7 =	smul.u32 $0x6800, s29  }
0xa: {  	s6 =	ssub.s32 $0x2, s2;
	s9 =	sor.u32 s2, s5;
	s2 =	smul.u32 $0x3400, s2  }
0xb: {  	s4 =	sadd.s32 $0x27ADC00, s0;
	s1 =	simm.s32 $0x0;
	s8 =	sshrl.u32 s6, $0x1  }
0xc: {  	_ =	strace $0x80000047;
	s30 =	ssub.s32 s6, s8;
	s31 =	sadd.s32 s2, s7  }
0xd: {  	s5 =	sadd.s32 $0xE800, s0;
	s0 =	smax.u32 s30, $0x1;
	[dreg:$0x3] =	wrdreg s31  }
0xe: {  	v0 =	vlaneseq.u32;
	s6 =	smul.u32 $0x68, s9;
	s9 =	simm.s32 $0x2;
	[dreg:$0x2] =	wrdreg s0  }
.LBB2_1:
0xf: {  	[dreg:$0x4] =	wrdreg s1  }
0x10: {  	s29 =	rddreg [dreg:$0x3];
	s30 =	simm.s32 $0x0  }
.LBB2_2:
0x11: {  	s0 =	sshll.u32 s30, $0x3  }
0x12: {  	s31 =	sadd.s32 s6, s0  }
0x13: {  	s2 =	sshll.u32 s31, $0x4  }
0x14: {  	s1 =	sadd.s32 $0x0, s29;
	s7 =	simm.s32 $0x0;
	s2 =	sadd.s32 s3, s2  }
0x15: {  	v2 =	vor.u32 s1, v0;
	[tilespmem:s7], [sflag:$0x2] =	stream.linear.gather [hbm4b:s2+s7], $0x400, $0x38;
	[tilespmem:$0x8400] =	vst v63  }
0x16: {  	s8 =	sand.u32 $0xE00, s7;
	v1 =	vmulhi.u32 $0x4EC4EC4F, v2;
	_ =	swait.ge [sflag:s9], $0x400  }
0x17: {  	s0 =	sshrl.u32 s8, $0x2;
	s7 =	sand.u32 $0x70, s7;
	[sflag:s9] =	ssyncset.done $0x0  }
0x18: {  	v1 =	vshrl.u32 v1, $0x3;
	s0 =	sor.u32 s7, s0;
	[sflag:s9] =	ssyncadd.s32 $0xFFFFFC00  }
0x19: {  	v3 =	vmul.u32 $0x1A, v1;
	v1 =	vld [tilespmem:s0+$0x0]  }
0x1a: {  	s28 =	sadd.s32 $0x10, s29  }
0x1b: {  	s8 =	simm.s32 $0x80;
	s2 =	simm.s32 $0x40;
	s7 =	simm.s32 $0x10;
	v2 =	vsub.s32 v2, v3  }
.LBB2_3:
0x1c: {  	p0 =	sne.s32 s8, $0xFC0;
	v3 =	vor.u32 s28, v0;
	v2 =	vmul.u32 $0x186A0, v2  }
0x1d: {  	s28 =	sand.u32 $0xE00, s2;
	s2 =	smov.u32 s8;
	v4 =	vmulhi.u32 $0x4EC4EC4F, v3  }
.Ltmp0:
0x1e: {  	s1 =	sand.u32 $0x70, s7;
	s28 =	sshrl.u32 s28, $0x2;
	v1 =	vadd.s32 v2, v1;
	(pc) =	sbr.rel @p0 .LBB2_3-.Ltmp0, $4  }
0x1f: {  	v2 =	vshrl.u32 v4, $0x3;
	[tilespmem:s0+$0x0] =	vst v1;
	s0 =	sor.u32 s1, s28  }
0x20: {  	v2 =	vmul.u32 $0x1A, v2;
	v1 =	vld [tilespmem:s0+$0x0]  }
0x21: {  	s7 =	sadd.s32 $0x10, s7  }
0x22: {  	s8 =	sadd.s32 $0x40, s8;
	s28 =	sadd.s32 s7, s29;
	v2 =	vsub.s32 v3, v2  }
0x23: {  	v3 =	vor.u32 s28, v0;
	v2 =	vmul.u32 $0x186A0, v2  }
0x24: {  	s1 =	sand.u32 $0xE00, s2;
	v4 =	vmulhi.u32 $0x4EC4EC4F, v3  }
0x25: {  	s28 =	sand.u32 $0x70, s7;
	s1 =	sshrl.u32 s1, $0x2;
	v1 =	vadd.s32 v2, v1  }
0x26: {  	s1 =	sor.u32 s28, s1;
	v2 =	vshrl.u32 v4, $0x3;
	[tilespmem:s0+$0x0] =	vst v1  }
0x27: {  	v1 =	vmul.u32 $0x1A, v2;
	v2 =	vld [tilespmem:s1+$0x0];
	_ =	sdelay $0x1  }
0x28: {  	v1 =	vsub.s32 v3, v1  }
0x29: {  	v1 =	vmul.u32 $0x186A0, v1;
	_ =	sdelay $0x1  }
0x2a: {  	v1 =	vadd.s32 v1, v2  }
0x2b: {  	s0 =	simm.s32 $0x0;
	[tilespmem:s1+$0x0] =	vst v1  }
0x2c: {  	[tilespmem:s11], [sflag:$0x1] =	stream.indirect.gather [hbm4b:s4+s10], $0x10, s0, s10, $0xb8;
	[tilespmem:$0x8400] =	vst v63  }
0x2d: {  	_ = 	snop  }
0x2e: {  	[tilespmem:s12], [sflag:$0x1] =	stream.indirect.gather [hbm4b:s4+s10], $0x10, s10, s10, $0xb8;
	[tilespmem:$0x8400] =	vst v63  }
0x2f: {  	_ = 	snop  }
0x30: {  	[tilespmem:s14], [sflag:$0x1] =	stream.indirect.gather [hbm4b:s4+s10], $0x10, s13, s10, $0xb8;
	[tilespmem:$0x8400] =	vst v63  }
0x31: {  	_ = 	snop  }
0x32: {  	[tilespmem:s16], [sflag:$0x1] =	stream.indirect.gather [hbm4b:s4+s10], $0x10, s15, s10, $0xb8;
	[tilespmem:$0x8400] =	vst v63  }
0x33: {  	_ = 	snop  }
0x34: {  	[tilespmem:s18], [sflag:$0x1] =	stream.indirect.gather [hbm4b:s4+s10], $0x10, s17, s10, $0xb8;
	[tilespmem:$0x8400] =	vst v63  }
0x35: {  	_ = 	snop  }
0x36: {  	[tilespmem:s20], [sflag:$0x1] =	stream.indirect.gather [hbm4b:s4+s10], $0x10, s19, s10, $0xb8;
	[tilespmem:$0x8400] =	vst v63  }
0x37: {  	_ = 	snop  }
0x38: {  	[tilespmem:s22], [sflag:$0x1] =	stream.indirect.gather [hbm4b:s4+s10], $0x10, s21, s10, $0xb8;
	[tilespmem:$0x8400] =	vst v63  }
0x39: {  	_ = 	snop  }
0x3a: {  	[tilespmem:s24], [sflag:$0x1] =	stream.indirect.gather [hbm4b:s4+s10], $0x10, s23, s10, $0xb8;
	[tilespmem:$0x8400] =	vst v63  }
0x3b: {  	_ =	swait.ge [sflag:s25], $0x800  }
0x3c: {  	[sflag:s25] =	ssyncset.done $0x0  }
0x3d: {  	[sflag:s25] =	ssyncadd.s32 $0xFFFFF800  }
0x3e: {  	_ =	swait.ge [sflag:s25], $0x800  }
0x3f: {  	[sflag:s25] =	ssyncset.done $0x0  }
0x40: {  	[sflag:s25] =	ssyncadd.s32 $0xFFFFF800  }
0x41: {  	_ =	swait.ge [sflag:s25], $0x800  }
0x42: {  	[sflag:s25] =	ssyncset.done $0x0  }
0x43: {  	[sflag:s25] =	ssyncadd.s32 $0xFFFFF800  }
0x44: {  	_ =	swait.ge [sflag:s25], $0x800  }
0x45: {  	[sflag:s25] =	ssyncset.done $0x0  }
0x46: {  	[sflag:s25] =	ssyncadd.s32 $0xFFFFF800  }
0x47: {  	_ =	swait.ge [sflag:s25], $0x800  }
0x48: {  	[sflag:s25] =	ssyncset.done $0x0  }
0x49: {  	[sflag:s25] =	ssyncadd.s32 $0xFFFFF800  }
0x4a: {  	_ =	swait.ge [sflag:s25], $0x800  }
0x4b: {  	[sflag:s25] =	ssyncset.done $0x0  }
0x4c: {  	[sflag:s25] =	ssyncadd.s32 $0xFFFFF800  }
0x4d: {  	_ =	swait.ge [sflag:s25], $0x800  }
0x4e: {  	[sflag:s25] =	ssyncset.done $0x0  }
0x4f: {  	[sflag:s25] =	ssyncadd.s32 $0xFFFFF800  }
0x50: {  	_ =	swait.ge [sflag:s25], $0x800  }
0x51: {  	[sflag:s25] =	ssyncset.done $0x0  }
0x52: {  	s8 =	simm.s32 $0x0;
	[sflag:s25] =	ssyncadd.s32 $0xFFFFF800  }
0x53: {  	v1 =	vld [tilespmem:s8+$0x400]  }
0x54: {  	s7 =	sand.u32 $0xFE00, s0  }
0x55: {  	s28 =	sand.u32 $0x70, s0;
	s1 =	sshrl.u32 s7, $0x2  }
0x56: {  	s2 =	simm.s32 $0x40;
	s7 =	sor.u32 s28, s1  }
.LBB2_5:
0x57: {  	s1 =	sshra.s32 s2, $0x2  }
0x58: {  	p0 =	sne.s32 s2, $0xFFC0;
	[tilespmem:s7+$0x4400] =	vst v1;
	s7 =	smov.u32 s2;
	s2 =	sadd.s32 $0x40, s2  }
.Ltmp1:
0x59: {  	v1 =	vld [tilespmem:s1+$0x400];
	(pc) =	sbr.rel @p0 .LBB2_5-.Ltmp1, $4  }
0x5a: {  	_ = 	snop  }
0x5b: {  	s0 =	sadd.s32 $0x10, s0;
	s1 =	sand.u32 $0xFE00, s7  }
0x5c: {  	s7 =	sand.u32 $0x70, s0;
	s1 =	sshrl.u32 s1, $0x2  }
0x5d: {  	s7 =	sor.u32 s7, s1  }
0x5e: {  	s30 =	sadd.s32 $0x1, s30  }
0x5f: {  	s0 =	sshll.u32 s31, $0x8;
	p0 =	sne.s32 s30, $0xD  }
.Ltmp2:
0x60: {  	[tilespmem:s7+$0x4400] =	vst v1;
	s1 =	simm.s32 $0x0;
	s0 =	sadd.s32 s5, s0;
	(pc) =	sbr.rel @p0 .LBB2_2-.Ltmp2, $4  }
0x61: {  	[hbm4b:s0+s1] =	stream.linear.scatter [tilespmem:s26], [sflag:$0x2], $0x4000, $0x38;
	[tilespmem:$0x8400] =	vst v63  }
0x62: {  	_ =	swait.ge [sflag:s9], $0x4000  }
0x63: {  	[sflag:s9] =	ssyncset.done $0x0  }
0x64: {  	s29 =	sadd.s32 $0x400, s29;
	[sflag:s9] =	ssyncadd.s32 $0xFFFFC000  }
0x65: {  	s1 =	rddreg [dreg:$0x4]  }
0x66: {  	s0 =	rddreg [dreg:$0x2];
	s1 =	sadd.s32 $0x1, s1  }
0x67: {  	p0 =	sne.s32 s1, s0  }
.Ltmp3:
0x68: {  	_ = 	snop;
	(pc) =	sbr.rel @p0 .LBB2_1-.Ltmp3, $1  }
0x69: {  	_ =	sdelay $0x3  }
0x6a: {  	_ =	sfence.sel $0x180000  }
0x6b: {  	[bflag:$0x0] =	sbarrier.arrive $0xFFFF  }
0x6c: {  	_ =	strace $0x90000047  }
0x6d: {  	s0 =	stileid.u32;
	[bflag:$0x2] =	sbarrier.arrive $0xFFFF  }
0x6e: {  	p0 =	sne.s32 s0, $0x0;
	s0 =	rddreg [dreg:$0x1]  }
0x6f: {  	s0 =	sadd.s32 @!p0 $0x100000, s0  }
0x70: {  	[sflag:s0] =	ssyncadd.tile.s32 @!p0 $0x1;
	_ =	shalt  }
.Lfunc_end2:
_tile_overlayer_lowered:
.L_overlay_start_2:
0x71: {  	(tag) =	ssettag $0x2  }
0x72: {  	s0 =	rddreg [dreg:$0x0];
	s2 =	stileid.u32  }
0x73: {  	s1 =	rddreg [dreg:$0x1];
	p0 =	sne.s32 s2, $0x0  }
0x74: {  	s3 =	rddreg [dreg:$0x2];
	[bflag:$0x3] =	sbarrier.arrive $0xFFFF;
	s2 =	simm.s32 @!p0 $0x1C02  }
0x75: {  	[timem:s3], [sflag:s2] =	dma.local @!p0 [hbm:s0], s1  }
0x76: {  	s0 =	simm.s32 @!p0 $0x2  }
0x77: {  	_ =	swait.ge @!p0 [sflag:s0], s1  }
0x78: {  	s1 =	ssub.s32 @!p0 $0x0, s1;
	[sflag:s0] =	ssyncset.done @!p0 $0x0  }
0x79: {  	[sflag:s0] =	ssyncadd.s32 @!p0 s1  }
0x7a: {  	[bflag:$0x3] =	sbarrier.arrive $0xFFFF  }
0x7b: {  	_ =	shalt  }

</sc_bundles>
